<compile_context>
chip_gen: v7x
topology: tpu7x:2x2x1
jax: 0.10.2.dev20260603
libtpu: 0.0.44.dev20260713+nightly
codegen_flags: <defaults>
</compile_context>

<pallas_src>
import functools

import jax
import jax.numpy as jnp
from jax import lax
from jax.experimental import pallas as pl
from jax.experimental.pallas import tpu as pltpu
from jax.experimental.pallas import tpu_sc as plsc

NUM_EMBEDDINGS = 100
EMBED_DIM = 50
ROW_STRIDE = 65
BATCH = 16384

NUM_CORES = 2
NUM_SUBCORES = 16
NUM_WORKERS = NUM_CORES * NUM_SUBCORES
ROWS_PER_WORKER = BATCH // NUM_WORKERS
LANES = 16

GROUPS_PER_WORKER = ROWS_PER_WORKER // LANES
QUARTERS = 4
GROUPS_PER_QUARTER = GROUPS_PER_WORKER // QUARTERS
ROWS_PER_QUARTER = ROWS_PER_WORKER // QUARTERS


def kernel(table, indices):
    mesh = plsc.VectorSubcoreMesh(core_axis_name="c", subcore_axis_name="s")
    table_flat = jnp.pad(
        table, ((0, 0), (0, ROW_STRIDE - EMBED_DIM))).reshape(-1)

    @functools.partial(
        pl.kernel,
        mesh=mesh,
        out_type=jax.ShapeDtypeStruct((EMBED_DIM, BATCH), jnp.float32),
        scratch_types=[
            pltpu.VMEM((NUM_EMBEDDINGS * ROW_STRIDE,), jnp.float32),
            pltpu.VMEM((ROWS_PER_WORKER,), jnp.int32),
            pltpu.VMEM((EMBED_DIM, ROWS_PER_WORKER), jnp.float32),
            pltpu.SemaphoreType.DMA,
            [pltpu.SemaphoreType.DMA] * QUARTERS,
        ],
        compiler_params=pltpu.CompilerParams(needs_layout_passes=False),
    )
    def emb_kernel(table_hbm, idx_hbm, out_hbm, tab_v, idx_v, out_v,
                   lsem, osems):
        wid = lax.axis_index("s") * NUM_CORES + lax.axis_index("c")
        row_base = wid * ROWS_PER_WORKER
        pltpu.async_copy(table_hbm, tab_v, lsem)
        pltpu.async_copy(idx_hbm.at[pl.ds(row_base, ROWS_PER_WORKER)],
                         idx_v, lsem)
        pltpu.make_async_copy(table_hbm, tab_v, lsem).wait()
        pltpu.make_async_copy(idx_hbm.at[pl.ds(row_base, ROWS_PER_WORKER)],
                              idx_v, lsem).wait()

        @pl.loop(0, QUARTERS)
        def _(q):
            qrow = pl.multiple_of(q * ROWS_PER_QUARTER, ROWS_PER_QUARTER)

            @plsc.parallel_loop(0, GROUPS_PER_QUARTER, unroll=4)
            def _(g):
                j0 = pl.multiple_of(qrow + g * LANES, LANES)
                iv = idx_v[pl.ds(j0, LANES)]
                bases = iv * ROW_STRIDE
                for c in range(EMBED_DIM):
                    out_v[c, pl.ds(j0, LANES)] = plsc.load_gather(
                        tab_v, [bases + c])

            pltpu.async_copy(
                out_v.at[:, pl.ds(qrow, ROWS_PER_QUARTER)],
                out_hbm.at[:, pl.ds(row_base + qrow, ROWS_PER_QUARTER)],
                osems[0])
        for q in range(QUARTERS):
            pltpu.make_async_copy(
                out_v.at[:, pl.ds(q * ROWS_PER_QUARTER, ROWS_PER_QUARTER)],
                out_hbm.at[:, pl.ds(row_base + q * ROWS_PER_QUARTER,
                                    ROWS_PER_QUARTER)],
                osems[0]).wait()

    return emb_kernel(table_flat, indices).T

# --- scband reference (transcript-rebuilt; emitter-appended) ---
"""Pipeline reference for scband-embedding-module1-dindices-86492051407045 (READ-ONLY COPY).

The authoritative reference and input builder live on the scoring server;
editing this copy changes nothing except your own understanding.
"""

import jax, jax.numpy as jnp
import numpy as np

NUM_EMBEDDINGS = 100
EMBED_DIM = 50
PADDING_IDX = 4
BATCH = 16384

def setup_inputs(seed: int = 0) -> dict:
    key = jax.random.key(seed)
    k_tab, k_idx = jax.random.split(key)
    table = jax.random.normal(k_tab, (NUM_EMBEDDINGS, EMBED_DIM), dtype=jnp.float32)
    # torch.nn.Embedding zeros the padding_idx row at init
    table = table.at[PADDING_IDX].set(0.0)
    indices = jax.random.randint(k_idx, (BATCH,), 0, NUM_EMBEDDINGS).astype(jnp.int32)
    return {"table": table, "indices": indices}

def reference(table, indices):
    # Faithful translation of torch.nn.Embedding forward: row gather
    return jnp.take(table, indices, axis=0)

if __name__ == "__main__":
    import jax
    _d = setup_inputs()
    print(jax.jit(kernel)(*tuple(_d.values())))

</pallas_src>

<mosaic_0001>
#map = affine_map<(d0, d1) -> (0)>
#map1 = affine_map<(d0, d1) -> (0, 0)>
module attributes {stable_mosaic.version = 14 : i64} {
  func.func @emb_kernel(%arg0: i32, %arg1: i32, %arg2: memref<6500xf32, #tpu.memory_space<hbm>>, %arg3: memref<16384xi32, #tpu.memory_space<hbm>>, %arg4: memref<50x16384xf32, #tpu.memory_space<hbm>>, %arg5: memref<6500xf32, #tpu.memory_space<vmem>>, %arg6: memref<512xi32, #tpu.memory_space<vmem>>, %arg7: memref<50x512xf32, #tpu.memory_space<vmem>>, %arg8: memref<!tpu.dma_semaphore, #tpu.memory_space<semaphore_mem>>, %arg9: memref<!tpu.dma_semaphore, #tpu.memory_space<semaphore_mem>>, %arg10: memref<!tpu.dma_semaphore, #tpu.memory_space<semaphore_mem>>, %arg11: memref<!tpu.dma_semaphore, #tpu.memory_space<semaphore_mem>>, %arg12: memref<!tpu.dma_semaphore, #tpu.memory_space<semaphore_mem>>) attributes {dimension_semantics = [#tpu.dimension_semantics<core_parallel>, #tpu.dimension_semantics<subcore_parallel>], iteration_bounds = array<i64: 2, 16>, scalar_prefetch = 0 : i64, scratch_operands = 8 : i64, tpu.core_type = #tpu.core_type<sc_vector_subcore>, window_params = [{transform_indices = #map}, {transform_indices = #map}, {transform_indices = #map1}]} {
    %mul3A = arith.constant 2 : i32
    %mul3A_0 = arith.muli %arg1, %mul3A : i32
    %add3A = arith.addi %mul3A_0, %arg0 : i32
    %mul3A_1 = arith.constant 512 : i32
    %mul3A_2 = arith.muli %add3A, %mul3A_1 : i32
    tpu.enqueue_dma source(%arg2 : memref<6500xf32, #tpu.memory_space<hbm>>) target(%arg5 : memref<6500xf32, #tpu.memory_space<vmem>>) target_semaphore(%arg8 : memref<!tpu.dma_semaphore, #tpu.memory_space<semaphore_mem>>)
    %dma_start3A = tpu.memref_slice %arg3[%mul3A_2] : memref<16384xi32, #tpu.memory_space<hbm>> -> memref<512xi32, #tpu.memory_space<hbm>>
    %dma_start3A_3 = tpu.memref_slice %arg3[%mul3A_2] : memref<16384xi32, #tpu.memory_space<hbm>> -> memref<512xi32, #tpu.memory_space<hbm>>
    tpu.enqueue_dma source(%dma_start3A_3 : memref<512xi32, #tpu.memory_space<hbm>>) target(%arg6 : memref<512xi32, #tpu.memory_space<vmem>>) target_semaphore(%arg8 : memref<!tpu.dma_semaphore, #tpu.memory_space<semaphore_mem>>)
    tpu.wait_dma2 semaphore(%arg8 : memref<!tpu.dma_semaphore, #tpu.memory_space<semaphore_mem>>) src(%arg2 : memref<6500xf32, #tpu.memory_space<hbm>>) dst(%arg5 : memref<6500xf32, #tpu.memory_space<vmem>>)
    %dma_wait3A = tpu.memref_slice %arg3[%mul3A_2] : memref<16384xi32, #tpu.memory_space<hbm>> -> memref<512xi32, #tpu.memory_space<hbm>>
    %dma_wait3A_4 = tpu.memref_slice %arg3[%mul3A_2] : memref<16384xi32, #tpu.memory_space<hbm>> -> memref<512xi32, #tpu.memory_space<hbm>>
    tpu.wait_dma2 semaphore(%arg8 : memref<!tpu.dma_semaphore, #tpu.memory_space<semaphore_mem>>) src(%dma_wait3A_4 : memref<512xi32, #tpu.memory_space<hbm>>) dst(%arg6 : memref<512xi32, #tpu.memory_space<vmem>>)
    %scan3A = arith.constant 0 : i32
    %scan3A_5 = arith.constant 4 : i32
    %scan3A_6 = arith.addi %scan3A, %scan3A_5 : i32
    %scan3A_7 = arith.constant 1 : i32
    scf.for %scan3A_57 = %scan3A to %scan3A_6 step %scan3A_7  : i32 {
      %mul3A_58 = arith.constant 1 : i32
      %mul3A_59 = arith.muli %scan3A_57, %mul3A_58 : i32
      %add3A_60 = arith.constant 0 : i32
      %add3A_61 = arith.addi %add3A_60, %mul3A_59 : i32
      %mul3A_62 = arith.constant 128 : i32
      %mul3A_63 = arith.muli %add3A_61, %mul3A_62 : i32
      %multiple_of3A = tpu.assume_multiple %mul3A_63, 128 : i32
      %parallel_loop3A = arith.constant 0 : i32
      %parallel_loop3A_64 = arith.constant 8 : i32
      %parallel_loop3A_65 = arith.constant 1 : i32
      scf.for %parallel_loop3A_75 = %parallel_loop3A to %parallel_loop3A_64 step %parallel_loop3A_65  : i32 {
        %parallel_loop3A_76 = arith.constant 16 : i32
        %parallel_loop3A_77 = arith.muli %parallel_loop3A_75, %parallel_loop3A_76 : i32
        %parallel_loop3A_78 = arith.addi %multiple_of3A, %parallel_loop3A_77 : i32
        %parallel_loop3A_79 = tpu.assume_multiple %parallel_loop3A_78, 16 : i32
        %parallel_loop3A_80 = arith.index_cast %parallel_loop3A_79 : i32 to index
        %parallel_loop3A_81 = tpu.vector_load %arg6[%parallel_loop3A_80] {strides = array<i32>} : memref<512xi32, #tpu.memory_space<vmem>>, vector<16xi32>,
        %parallel_loop3A_82 = arith.constant 65 : i32
        %parallel_loop3A_83 = vector.broadcast %parallel_loop3A_82 : i32 to vector<16xi32>
        %parallel_loop3A_84 = arith.muli %parallel_loop3A_81, %parallel_loop3A_83 : vector<16xi32>
        %parallel_loop3A_85 = arith.constant 0 : i32
        %parallel_loop3A_86 = vector.broadcast %parallel_loop3A_85 : i32 to vector<16xi32>
        %parallel_loop3A_87 = arith.addi %parallel_loop3A_84, %parallel_loop3A_86 : vector<16xi32>
        %parallel_loop3A_88 = tpu.vector_load_idx %arg5[%parallel_loop3A_87] : memref<6500xf32, #tpu.memory_space<vmem>>[vector<16xi32>], vector<16xf32>,
        %parallel_loop3A_89 = arith.constant 0 : i32
        %parallel_loop3A_90 = arith.index_cast %parallel_loop3A_89 : i32 to index
        %parallel_loop3A_91 = arith.index_cast %parallel_loop3A_79 : i32 to index
        %parallel_loop3A_92 = tpu.vector_load %arg7[%parallel_loop3A_90, %parallel_loop3A_91] {strides = array<i32>} : memref<50x512xf32, #tpu.memory_space<vmem>>, vector<16xf32>,
        tpu.vector_store %arg7[%parallel_loop3A_90, %parallel_loop3A_91], %parallel_loop3A_88 {strides = array<i32>} : memref<50x512xf32, #tpu.memory_space<vmem>>, vector<16xf32>,
        %parallel_loop3A_93 = arith.constant 1 : i32
        %parallel_loop3A_94 = vector.broadcast %parallel_loop3A_93 : i32 to vector<16xi32>
        %parallel_loop3A_95 = arith.addi %parallel_loop3A_84, %parallel_loop3A_94 : vector<16xi32>
        %parallel_loop3A_96 = tpu.vector_load_idx %arg5[%parallel_loop3A_95] : memref<6500xf32, #tpu.memory_space<vmem>>[vector<16xi32>], vector<16xf32>,
        %parallel_loop3A_97 = arith.constant 1 : i32
        %parallel_loop3A_98 = arith.index_cast %parallel_loop3A_97 : i32 to index
        %parallel_loop3A_99 = arith.index_cast %parallel_loop3A_79 : i32 to index
        %parallel_loop3A_100 = tpu.vector_load %arg7[%parallel_loop3A_98, %parallel_loop3A_99] {strides = array<i32>} : memref<50x512xf32, #tpu.memory_space<vmem>>, vector<16xf32>,
        tpu.vector_store %arg7[%parallel_loop3A_98, %parallel_loop3A_99], %parallel_loop3A_96 {strides = array<i32>} : memref<50x512xf32, #tpu.memory_space<vmem>>, vector<16xf32>,
        %parallel_loop3A_101 = arith.constant 2 : i32
        %parallel_loop3A_102 = vector.broadcast %parallel_loop3A_101 : i32 to vector<16xi32>
        %parallel_loop3A_103 = arith.addi %parallel_loop3A_84, %parallel_loop3A_102 : vector<16xi32>
        %parallel_loop3A_104 = tpu.vector_load_idx %arg5[%parallel_loop3A_103] : memref<6500xf32, #tpu.memory_space<vmem>>[vector<16xi32>], vector<16xf32>,
        %parallel_loop3A_105 = arith.constant 2 : i32
        %parallel_loop3A_106 = arith.index_cast %parallel_loop3A_105 : i32 to index
        %parallel_loop3A_107 = arith.index_cast %parallel_loop3A_79 : i32 to index
        %parallel_loop3A_108 = tpu.vector_load %arg7[%parallel_loop3A_106, %parallel_loop3A_107] {strides = array<i32>} : memref<50x512xf32, #tpu.memory_space<vmem>>, vector<16xf32>,
        tpu.vector_store %arg7[%parallel_loop3A_106, %parallel_loop3A_107], %parallel_loop3A_104 {strides = array<i32>} : memref<50x512xf32, #tpu.memory_space<vmem>>, vector<16xf32>,
        %parallel_loop3A_109 = arith.constant 3 : i32
        %parallel_loop3A_110 = vector.broadcast %parallel_loop3A_109 : i32 to vector<16xi32>
        %parallel_loop3A_111 = arith.addi %parallel_loop3A_84, %parallel_loop3A_110 : vector<16xi32>
        %parallel_loop3A_112 = tpu.vector_load_idx %arg5[%parallel_loop3A_111] : memref<6500xf32, #tpu.memory_space<vmem>>[vector<16xi32>], vector<16xf32>,
        %parallel_loop3A_113 = arith.constant 3 : i32
        %parallel_loop3A_114 = arith.index_cast %parallel_loop3A_113 : i32 to index
        %parallel_loop3A_115 = arith.index_cast %parallel_loop3A_79 : i32 to index
        %parallel_loop3A_116 = tpu.vector_load %arg7[%parallel_loop3A_114, %parallel_loop3A_115] {strides = array<i32>} : memref<50x512xf32, #tpu.memory_space<vmem>>, vector<16xf32>,
        tpu.vector_store %arg7[%parallel_loop3A_114, %parallel_loop3A_115], %parallel_loop3A_112 {strides = array<i32>} : memref<50x512xf32, #tpu.memory_space<vmem>>, vector<16xf32>,
        %parallel_loop3A_117 = arith.constant 4 : i32
        %parallel_loop3A_118 = vector.broadcast %parallel_loop3A_117 : i32 to vector<16xi32>
        %parallel_loop3A_119 = arith.addi %parallel_loop3A_84, %parallel_loop3A_118 : vector<16xi32>
        %parallel_loop3A_120 = tpu.vector_load_idx %arg5[%parallel_loop3A_119] : memref<6500xf32, #tpu.memory_space<vmem>>[vector<16xi32>], vector<16xf32>,
        %parallel_loop3A_121 = arith.constant 4 : i32
        %parallel_loop3A_122 = arith.index_cast %parallel_loop3A_121 : i32 to index
        %parallel_loop3A_123 = arith.index_cast %parallel_loop3A_79 : i32 to index
        %parallel_loop3A_124 = tpu.vector_load %arg7[%parallel_loop3A_122, %parallel_loop3A_123] {strides = array<i32>} : memref<50x512xf32, #tpu.memory_space<vmem>>, vector<16xf32>,
        tpu.vector_store %arg7[%parallel_loop3A_122, %parallel_loop3A_123], %parallel_loop3A_120 {strides = array<i32>} : memref<50x512xf32, #tpu.memory_space<vmem>>, vector<16xf32>,
        %parallel_loop3A_125 = arith.constant 5 : i32
        %parallel_loop3A_126 = vector.broadcast %parallel_loop3A_125 : i32 to vector<16xi32>
        %parallel_loop3A_127 = arith.addi %parallel_loop3A_84, %parallel_loop3A_126 : vector<16xi32>
        %parallel_loop3A_128 = tpu.vector_load_idx %arg5[%parallel_loop3A_127] : memref<6500xf32, #tpu.memory_space<vmem>>[vector<16xi32>], vector<16xf32>,
        %parallel_loop3A_129 = arith.constant 5 : i32
        %parallel_loop3A_130 = arith.index_cast %parallel_loop3A_129 : i32 to index
        %parallel_loop3A_131 = arith.index_cast %parallel_loop3A_79 : i32 to index
        %parallel_loop3A_132 = tpu.vector_load %arg7[%parallel_loop3A_130, %parallel_loop3A_131] {strides = array<i32>} : memref<50x512xf32, #tpu.memory_space<vmem>>, vector<16xf32>,
        tpu.vector_store %arg7[%parallel_loop3A_130, %parallel_loop3A_131], %parallel_loop3A_128 {strides = array<i32>} : memref<50x512xf32, #tpu.memory_space<vmem>>, vector<16xf32>,
        %parallel_loop3A_133 = arith.constant 6 : i32
        %parallel_loop3A_134 = vector.broadcast %parallel_loop3A_133 : i32 to vector<16xi32>
        %parallel_loop3A_135 = arith.addi %parallel_loop3A_84, %parallel_loop3A_134 : vector<16xi32>
        %parallel_loop3A_136 = tpu.vector_load_idx %arg5[%parallel_loop3A_135] : memref<6500xf32, #tpu.memory_space<vmem>>[vector<16xi32>], vector<16xf32>,
        %parallel_loop3A_137 = arith.constant 6 : i32
        %parallel_loop3A_138 = arith.index_cast %parallel_loop3A_137 : i32 to index
        %parallel_loop3A_139 = arith.index_cast %parallel_loop3A_79 : i32 to index
        %parallel_loop3A_140 = tpu.vector_load %arg7[%parallel_loop3A_138, %parallel_loop3A_139] {strides = array<i32>} : memref<50x512xf32, #tpu.memory_space<vmem>>, vector<16xf32>,
        tpu.vector_store %arg7[%parallel_loop3A_138, %parallel_loop3A_139], %parallel_loop3A_136 {strides = array<i32>} : memref<50x512xf32, #tpu.memory_space<vmem>>, vector<16xf32>,
        %parallel_loop3A_141 = arith.constant 7 : i32
        %parallel_loop3A_142 = vector.broadcast %parallel_loop3A_141 : i32 to vector<16xi32>
        %parallel_loop3A_143 = arith.addi %parallel_loop3A_84, %parallel_loop3A_142 : vector<16xi32>
        %parallel_loop3A_144 = tpu.vector_load_idx %arg5[%parallel_loop3A_143] : memref<6500xf32, #tpu.memory_space<vmem>>[vector<16xi32>], vector<16xf32>,
        %parallel_loop3A_145 = arith.constant 7 : i32
        %parallel_loop3A_146 = arith.index_cast %parallel_loop3A_145 : i32 to index
        %parallel_loop3A_147 = arith.index_cast %parallel_loop3A_79 : i32 to index
        %parallel_loop3A_148 = tpu.vector_load %arg7[%parallel_loop3A_146, %parallel_loop3A_147] {strides = array<i32>} : memref<50x512xf32, #tpu.memory_space<vmem>>, vector<16xf32>,
        tpu.vector_store %arg7[%parallel_loop3A_146, %parallel_loop3A_147], %parallel_loop3A_144 {strides = array<i32>} : memref<50x512xf32, #tpu.memory_space<vmem>>, vector<16xf32>,
        %parallel_loop3A_149 = arith.constant 8 : i32
        %parallel_loop3A_150 = vector.broadcast %parallel_loop3A_149 : i32 to vector<16xi32>
        %parallel_loop3A_151 = arith.addi %parallel_loop3A_84, %parallel_loop3A_150 : vector<16xi32>
        %parallel_loop3A_152 = tpu.vector_load_idx %arg5[%parallel_loop3A_151] : memref<6500xf32, #tpu.memory_space<vmem>>[vector<16xi32>], vector<16xf32>,
        %parallel_loop3A_153 = arith.constant 8 : i32
        %parallel_loop3A_154 = arith.index_cast %parallel_loop3A_153 : i32 to index
        %parallel_loop3A_155 = arith.index_cast %parallel_loop3A_79 : i32 to index
        %parallel_loop3A_156 = tpu.vector_load %arg7[%parallel_loop3A_154, %parallel_loop3A_155] {strides = array<i32>} : memref<50x512xf32, #tpu.memory_space<vmem>>, vector<16xf32>,
        tpu.vector_store %arg7[%parallel_loop3A_154, %parallel_loop3A_155], %parallel_loop3A_152 {strides = array<i32>} : memref<50x512xf32, #tpu.memory_space<vmem>>, vector<16xf32>,
        %parallel_loop3A_157 = arith.constant 9 : i32
        %parallel_loop3A_158 = vector.broadcast %parallel_loop3A_157 : i32 to vector<16xi32>
        %parallel_loop3A_159 = arith.addi %parallel_loop3A_84, %parallel_loop3A_158 : vector<16xi32>
        %parallel_loop3A_160 = tpu.vector_load_idx %arg5[%parallel_loop3A_159] : memref<6500xf32, #tpu.memory_space<vmem>>[vector<16xi32>], vector<16xf32>,
        %parallel_loop3A_161 = arith.constant 9 : i32
        %parallel_loop3A_162 = arith.index_cast %parallel_loop3A_161 : i32 to index
        %parallel_loop3A_163 = arith.index_cast %parallel_loop3A_79 : i32 to index
        %parallel_loop3A_164 = tpu.vector_load %arg7[%parallel_loop3A_162, %parallel_loop3A_163] {strides = array<i32>} : memref<50x512xf32, #tpu.memory_space<vmem>>, vector<16xf32>,
        tpu.vector_store %arg7[%parallel_loop3A_162, %parallel_loop3A_163], %parallel_loop3A_160 {strides = array<i32>} : memref<50x512xf32, #tpu.memory_space<vmem>>, vector<16xf32>,
        %parallel_loop3A_165 = arith.constant 10 : i32
        %parallel_loop3A_166 = vector.broadcast %parallel_loop3A_165 : i32 to vector<16xi32>
        %parallel_loop3A_167 = arith.addi %parallel_loop3A_84, %parallel_loop3A_166 : vector<16xi32>
        %parallel_loop3A_168 = tpu.vector_load_idx %arg5[%parallel_loop3A_167] : memref<6500xf32, #tpu.memory_space<vmem>>[vector<16xi32>], vector<16xf32>,
        %parallel_loop3A_169 = arith.constant 10 : i32
        %parallel_loop3A_170 = arith.index_cast %parallel_loop3A_169 : i32 to index
        %parallel_loop3A_171 = arith.index_cast %parallel_loop3A_79 : i32 to index
        %parallel_loop3A_172 = tpu.vector_load %arg7[%parallel_loop3A_170, %parallel_loop3A_171] {strides = array<i32>} : memref<50x512xf32, #tpu.memory_space<vmem>>, vector<16xf32>,
        tpu.vector_store %arg7[%parallel_loop3A_170, %parallel_loop3A_171], %parallel_loop3A_168 {strides = array<i32>} : memref<50x512xf32, #tpu.memory_space<vmem>>, vector<16xf32>,
        %parallel_loop3A_173 = arith.constant 11 : i32
        %parallel_loop3A_174 = vector.broadcast %parallel_loop3A_173 : i32 to vector<16xi32>
        %parallel_loop3A_175 = arith.addi %parallel_loop3A_84, %parallel_loop3A_174 : vector<16xi32>
        %parallel_loop3A_176 = tpu.vector_load_idx %arg5[%parallel_loop3A_175] : memref<6500xf32, #tpu.memory_space<vmem>>[vector<16xi32>], vector<16xf32>,
        %parallel_loop3A_177 = arith.constant 11 : i32
        %parallel_loop3A_178 = arith.index_cast %parallel_loop3A_177 : i32 to index
        %parallel_loop3A_179 = arith.index_cast %parallel_loop3A_79 : i32 to index
        %parallel_loop3A_180 = tpu.vector_load %arg7[%parallel_loop3A_178, %parallel_loop3A_179] {strides = array<i32>} : memref<50x512xf32, #tpu.memory_space<vmem>>, vector<16xf32>,
        tpu.vector_store %arg7[%parallel_loop3A_178, %parallel_loop3A_179], %parallel_loop3A_176 {strides = array<i32>} : memref<50x512xf32, #tpu.memory_space<vmem>>, vector<16xf32>,
        %parallel_loop3A_181 = arith.constant 12 : i32
        %parallel_loop3A_182 = vector.broadcast %parallel_loop3A_181 : i32 to vector<16xi32>
        %parallel_loop3A_183 = arith.addi %parallel_loop3A_84, %parallel_loop3A_182 : vector<16xi32>
        %parallel_loop3A_184 = tpu.vector_load_idx %arg5[%parallel_loop3A_183] : memref<6500xf32, #tpu.memory_space<vmem>>[vector<16xi32>], vector<16xf32>,
        %parallel_loop3A_185 = arith.constant 12 : i32
        %parallel_loop3A_186 = arith.index_cast %parallel_loop3A_185 : i32 to index
        %parallel_loop3A_187 = arith.index_cast %parallel_loop3A_79 : i32 to index
        %parallel_loop3A_188 = tpu.vector_load %arg7[%parallel_loop3A_186, %parallel_loop3A_187] {strides = array<i32>} : memref<50x512xf32, #tpu.memory_space<vmem>>, vector<16xf32>,
        tpu.vector_store %arg7[%parallel_loop3A_186, %parallel_loop3A_187], %parallel_loop3A_184 {strides = array<i32>} : memref<50x512xf32, #tpu.memory_space<vmem>>, vector<16xf32>,
        %parallel_loop3A_189 = arith.constant 13 : i32
        %parallel_loop3A_190 = vector.broadcast %parallel_loop3A_189 : i32 to vector<16xi32>
        %parallel_loop3A_191 = arith.addi %parallel_loop3A_84, %parallel_loop3A_190 : vector<16xi32>
        %parallel_loop3A_192 = tpu.vector_load_idx %arg5[%parallel_loop3A_191] : memref<6500xf32, #tpu.memory_space<vmem>>[vector<16xi32>], vector<16xf32>,
        %parallel_loop3A_193 = arith.constant 13 : i32
        %parallel_loop3A_194 = arith.index_cast %parallel_loop3A_193 : i32 to index
        %parallel_loop3A_195 = arith.index_cast %parallel_loop3A_79 : i32 to index
        %parallel_loop3A_196 = tpu.vector_load %arg7[%parallel_loop3A_194, %parallel_loop3A_195] {strides = array<i32>} : memref<50x512xf32, #tpu.memory_space<vmem>>, vector<16xf32>,
        tpu.vector_store %arg7[%parallel_loop3A_194, %parallel_loop3A_195], %parallel_loop3A_192 {strides = array<i32>} : memref<50x512xf32, #tpu.memory_space<vmem>>, vector<16xf32>,
        %parallel_loop3A_197 = arith.constant 14 : i32
        %parallel_loop3A_198 = vector.broadcast %parallel_loop3A_197 : i32 to vector<16xi32>
        %parallel_loop3A_199 = arith.addi %parallel_loop3A_84, %parallel_loop3A_198 : vector<16xi32>
        %parallel_loop3A_200 = tpu.vector_load_idx %arg5[%parallel_loop3A_199] : memref<6500xf32, #tpu.memory_space<vmem>>[vector<16xi32>], vector<16xf32>,
        %parallel_loop3A_201 = arith.constant 14 : i32
        %parallel_loop3A_202 = arith.index_cast %parallel_loop3A_201 : i32 to index
        %parallel_loop3A_203 = arith.index_cast %parallel_loop3A_79 : i32 to index
        %parallel_loop3A_204 = tpu.vector_load %arg7[%parallel_loop3A_202, %parallel_loop3A_203] {strides = array<i32>} : memref<50x512xf32, #tpu.memory_space<vmem>>, vector<16xf32>,
        tpu.vector_store %arg7[%parallel_loop3A_202, %parallel_loop3A_203], %parallel_loop3A_200 {strides = array<i32>} : memref<50x512xf32, #tpu.memory_space<vmem>>, vector<16xf32>,
        %parallel_loop3A_205 = arith.constant 15 : i32
        %parallel_loop3A_206 = vector.broadcast %parallel_loop3A_205 : i32 to vector<16xi32>
        %parallel_loop3A_207 = arith.addi %parallel_loop3A_84, %parallel_loop3A_206 : vector<16xi32>
        %parallel_loop3A_208 = tpu.vector_load_idx %arg5[%parallel_loop3A_207] : memref<6500xf32, #tpu.memory_space<vmem>>[vector<16xi32>], vector<16xf32>,
        %parallel_loop3A_209 = arith.constant 15 : i32
        %parallel_loop3A_210 = arith.index_cast %parallel_loop3A_209 : i32 to index
        %parallel_loop3A_211 = arith.index_cast %parallel_loop3A_79 : i32 to index
        %parallel_loop3A_212 = tpu.vector_load %arg7[%parallel_loop3A_210, %parallel_loop3A_211] {strides = array<i32>} : memref<50x512xf32, #tpu.memory_space<vmem>>, vector<16xf32>,
        tpu.vector_store %arg7[%parallel_loop3A_210, %parallel_loop3A_211], %parallel_loop3A_208 {strides = array<i32>} : memref<50x512xf32, #tpu.memory_space<vmem>>, vector<16xf32>,
        %parallel_loop3A_213 = arith.constant 16 : i32
        %parallel_loop3A_214 = vector.broadcast %parallel_loop3A_213 : i32 to vector<16xi32>
        %parallel_loop3A_215 = arith.addi %parallel_loop3A_84, %parallel_loop3A_214 : vector<16xi32>
        %parallel_loop3A_216 = tpu.vector_load_idx %arg5[%parallel_loop3A_215] : memref<6500xf32, #tpu.memory_space<vmem>>[vector<16xi32>], vector<16xf32>,
        %parallel_loop3A_217 = arith.constant 16 : i32
        %parallel_loop3A_218 = arith.index_cast %parallel_loop3A_217 : i32 to index
        %parallel_loop3A_219 = arith.index_cast %parallel_loop3A_79 : i32 to index
        %parallel_loop3A_220 = tpu.vector_load %arg7[%parallel_loop3A_218, %parallel_loop3A_219] {strides = array<i32>} : memref<50x512xf32, #tpu.memory_space<vmem>>, vector<16xf32>,
        tpu.vector_store %arg7[%parallel_loop3A_218, %parallel_loop3A_219], %parallel_loop3A_216 {strides = array<i32>} : memref<50x512xf32, #tpu.memory_space<vmem>>, vector<16xf32>,
        %parallel_loop3A_221 = arith.constant 17 : i32
        %parallel_loop3A_222 = vector.broadcast %parallel_loop3A_221 : i32 to vector<16xi32>
        %parallel_loop3A_223 = arith.addi %parallel_loop3A_84, %parallel_loop3A_222 : vector<16xi32>
        %parallel_loop3A_224 = tpu.vector_load_idx %arg5[%parallel_loop3A_223] : memref<6500xf32, #tpu.memory_space<vmem>>[vector<16xi32>], vector<16xf32>,
        %parallel_loop3A_225 = arith.constant 17 : i32
        %parallel_loop3A_226 = arith.index_cast %parallel_loop3A_225 : i32 to index
        %parallel_loop3A_227 = arith.index_cast %parallel_loop3A_79 : i32 to index
        %parallel_loop3A_228 = tpu.vector_load %arg7[%parallel_loop3A_226, %parallel_loop3A_227] {strides = array<i32>} : memref<50x512xf32, #tpu.memory_space<vmem>>, vector<16xf32>,
        tpu.vector_store %arg7[%parallel_loop3A_226, %parallel_loop3A_227], %parallel_loop3A_224 {strides = array<i32>} : memref<50x512xf32, #tpu.memory_space<vmem>>, vector<16xf32>,
        %parallel_loop3A_229 = arith.constant 18 : i32
        %parallel_loop3A_230 = vector.broadcast %parallel_loop3A_229 : i32 to vector<16xi32>
        %parallel_loop3A_231 = arith.addi %parallel_loop3A_84, %parallel_loop3A_230 : vector<16xi32>
        %parallel_loop3A_232 = tpu.vector_load_idx %arg5[%parallel_loop3A_231] : memref<6500xf32, #tpu.memory_space<vmem>>[vector<16xi32>], vector<16xf32>,
        %parallel_loop3A_233 = arith.constant 18 : i32
        %parallel_loop3A_234 = arith.index_cast %parallel_loop3A_233 : i32 to index
        %parallel_loop3A_235 = arith.index_cast %parallel_loop3A_79 : i32 to index
        %parallel_loop3A_236 = tpu.vector_load %arg7[%parallel_loop3A_234, %parallel_loop3A_235] {strides = array<i32>} : memref<50x512xf32, #tpu.memory_space<vmem>>, vector<16xf32>,
        tpu.vector_store %arg7[%parallel_loop3A_234, %parallel_loop3A_235], %parallel_loop3A_232 {strides = array<i32>} : memref<50x512xf32, #tpu.memory_space<vmem>>, vector<16xf32>,
        %parallel_loop3A_237 = arith.constant 19 : i32
        %parallel_loop3A_238 = vector.broadcast %parallel_loop3A_237 : i32 to vector<16xi32>
        %parallel_loop3A_239 = arith.addi %parallel_loop3A_84, %parallel_loop3A_238 : vector<16xi32>
        %parallel_loop3A_240 = tpu.vector_load_idx %arg5[%parallel_loop3A_239] : memref<6500xf32, #tpu.memory_space<vmem>>[vector<16xi32>], vector<16xf32>,
        %parallel_loop3A_241 = arith.constant 19 : i32
        %parallel_loop3A_242 = arith.index_cast %parallel_loop3A_241 : i32 to index
        %parallel_loop3A_243 = arith.index_cast %parallel_loop3A_79 : i32 to index
        %parallel_loop3A_244 = tpu.vector_load %arg7[%parallel_loop3A_242, %parallel_loop3A_243] {strides = array<i32>} : memref<50x512xf32, #tpu.memory_space<vmem>>, vector<16xf32>,
        tpu.vector_store %arg7[%parallel_loop3A_242, %parallel_loop3A_243], %parallel_loop3A_240 {strides = array<i32>} : memref<50x512xf32, #tpu.memory_space<vmem>>, vector<16xf32>,
        %parallel_loop3A_245 = arith.constant 20 : i32
        %parallel_loop3A_246 = vector.broadcast %parallel_loop3A_245 : i32 to vector<16xi32>
        %parallel_loop3A_247 = arith.addi %parallel_loop3A_84, %parallel_loop3A_246 : vector<16xi32>
        %parallel_loop3A_248 = tpu.vector_load_idx %arg5[%parallel_loop3A_247] : memref<6500xf32, #tpu.memory_space<vmem>>[vector<16xi32>], vector<16xf32>,
        %parallel_loop3A_249 = arith.constant 20 : i32
        %parallel_loop3A_250 = arith.index_cast %parallel_loop3A_249 : i32 to index
        %parallel_loop3A_251 = arith.index_cast %parallel_loop3A_79 : i32 to index
        %parallel_loop3A_252 = tpu.vector_load %arg7[%parallel_loop3A_250, %parallel_loop3A_251] {strides = array<i32>} : memref<50x512xf32, #tpu.memory_space<vmem>>, vector<16xf32>,
        tpu.vector_store %arg7[%parallel_loop3A_250, %parallel_loop3A_251], %parallel_loop3A_248 {strides = array<i32>} : memref<50x512xf32, #tpu.memory_space<vmem>>, vector<16xf32>,
        %parallel_loop3A_253 = arith.constant 21 : i32
        %parallel_loop3A_254 = vector.broadcast %parallel_loop3A_253 : i32 to vector<16xi32>
        %parallel_loop3A_255 = arith.addi %parallel_loop3A_84, %parallel_loop3A_254 : vector<16xi32>
        %parallel_loop3A_256 = tpu.vector_load_idx %arg5[%parallel_loop3A_255] : memref<6500xf32, #tpu.memory_space<vmem>>[vector<16xi32>], vector<16xf32>,
        %parallel_loop3A_257 = arith.constant 21 : i32
        %parallel_loop3A_258 = arith.index_cast %parallel_loop3A_257 : i32 to index
        %parallel_loop3A_259 = arith.index_cast %parallel_loop3A_79 : i32 to index
        %parallel_loop3A_260 = tpu.vector_load %arg7[%parallel_loop3A_258, %parallel_loop3A_259] {strides = array<i32>} : memref<50x512xf32, #tpu.memory_space<vmem>>, vector<16xf32>,
        tpu.vector_store %arg7[%parallel_loop3A_258, %parallel_loop3A_259], %parallel_loop3A_256 {strides = array<i32>} : memref<50x512xf32, #tpu.memory_space<vmem>>, vector<16xf32>,
        %parallel_loop3A_261 = arith.constant 22 : i32
        %parallel_loop3A_262 = vector.broadcast %parallel_loop3A_261 : i32 to vector<16xi32>
        %parallel_loop3A_263 = arith.addi %parallel_loop3A_84, %parallel_loop3A_262 : vector<16xi32>
        %parallel_loop3A_264 = tpu.vector_load_idx %arg5[%parallel_loop3A_263] : memref<6500xf32, #tpu.memory_space<vmem>>[vector<16xi32>], vector<16xf32>,
        %parallel_loop3A_265 = arith.constant 22 : i32
        %parallel_loop3A_266 = arith.index_cast %parallel_loop3A_265 : i32 to index
        %parallel_loop3A_267 = arith.index_cast %parallel_loop3A_79 : i32 to index
        %parallel_loop3A_268 = tpu.vector_load %arg7[%parallel_loop3A_266, %parallel_loop3A_267] {strides = array<i32>} : memref<50x512xf32, #tpu.memory_space<vmem>>, vector<16xf32>,
        tpu.vector_store %arg7[%parallel_loop3A_266, %parallel_loop3A_267], %parallel_loop3A_264 {strides = array<i32>} : memref<50x512xf32, #tpu.memory_space<vmem>>, vector<16xf32>,
        %parallel_loop3A_269 = arith.constant 23 : i32
        %parallel_loop3A_270 = vector.broadcast %parallel_loop3A_269 : i32 to vector<16xi32>
        %parallel_loop3A_271 = arith.addi %parallel_loop3A_84, %parallel_loop3A_270 : vector<16xi32>
        %parallel_loop3A_272 = tpu.vector_load_idx %arg5[%parallel_loop3A_271] : memref<6500xf32, #tpu.memory_space<vmem>>[vector<16xi32>], vector<16xf32>,
        %parallel_loop3A_273 = arith.constant 23 : i32
        %parallel_loop3A_274 = arith.index_cast %parallel_loop3A_273 : i32 to index
        %parallel_loop3A_275 = arith.index_cast %parallel_loop3A_79 : i32 to index
        %parallel_loop3A_276 = tpu.vector_load %arg7[%parallel_loop3A_274, %parallel_loop3A_275] {strides = array<i32>} : memref<50x512xf32, #tpu.memory_space<vmem>>, vector<16xf32>,
        tpu.vector_store %arg7[%parallel_loop3A_274, %parallel_loop3A_275], %parallel_loop3A_272 {strides = array<i32>} : memref<50x512xf32, #tpu.memory_space<vmem>>, vector<16xf32>,
        %parallel_loop3A_277 = arith.constant 24 : i32
        %parallel_loop3A_278 = vector.broadcast %parallel_loop3A_277 : i32 to vector<16xi32>
        %parallel_loop3A_279 = arith.addi %parallel_loop3A_84, %parallel_loop3A_278 : vector<16xi32>
        %parallel_loop3A_280 = tpu.vector_load_idx %arg5[%parallel_loop3A_279] : memref<6500xf32, #tpu.memory_space<vmem>>[vector<16xi32>], vector<16xf32>,
        %parallel_loop3A_281 = arith.constant 24 : i32
        %parallel_loop3A_282 = arith.index_cast %parallel_loop3A_281 : i32 to index
        %parallel_loop3A_283 = arith.index_cast %parallel_loop3A_79 : i32 to index
        %parallel_loop3A_284 = tpu.vector_load %arg7[%parallel_loop3A_282, %parallel_loop3A_283] {strides = array<i32>} : memref<50x512xf32, #tpu.memory_space<vmem>>, vector<16xf32>,
        tpu.vector_store %arg7[%parallel_loop3A_282, %parallel_loop3A_283], %parallel_loop3A_280 {strides = array<i32>} : memref<50x512xf32, #tpu.memory_space<vmem>>, vector<16xf32>,
        %parallel_loop3A_285 = arith.constant 25 : i32
        %parallel_loop3A_286 = vector.broadcast %parallel_loop3A_285 : i32 to vector<16xi32>
        %parallel_loop3A_287 = arith.addi %parallel_loop3A_84, %parallel_loop3A_286 : vector<16xi32>
        %parallel_loop3A_288 = tpu.vector_load_idx %arg5[%parallel_loop3A_287] : memref<6500xf32, #tpu.memory_space<vmem>>[vector<16xi32>], vector<16xf32>,
        %parallel_loop3A_289 = arith.constant 25 : i32
        %parallel_loop3A_290 = arith.index_cast %parallel_loop3A_289 : i32 to index
        %parallel_loop3A_291 = arith.index_cast %parallel_loop3A_79 : i32 to index
        %parallel_loop3A_292 = tpu.vector_load %arg7[%parallel_loop3A_290, %parallel_loop3A_291] {strides = array<i32>} : memref<50x512xf32, #tpu.memory_space<vmem>>, vector<16xf32>,
        tpu.vector_store %arg7[%parallel_loop3A_290, %parallel_loop3A_291], %parallel_loop3A_288 {strides = array<i32>} : memref<50x512xf32, #tpu.memory_space<vmem>>, vector<16xf32>,
        %parallel_loop3A_293 = arith.constant 26 : i32
        %parallel_loop3A_294 = vector.broadcast %parallel_loop3A_293 : i32 to vector<16xi32>
        %parallel_loop3A_295 = arith.addi %parallel_loop3A_84, %parallel_loop3A_294 : vector<16xi32>
        %parallel_loop3A_296 = tpu.vector_load_idx %arg5[%parallel_loop3A_295] : memref<6500xf32, #tpu.memory_space<vmem>>[vector<16xi32>], vector<16xf32>,
        %parallel_loop3A_297 = arith.constant 26 : i32
        %parallel_loop3A_298 = arith.index_cast %parallel_loop3A_297 : i32 to index
        %parallel_loop3A_299 = arith.index_cast %parallel_loop3A_79 : i32 to index
        %parallel_loop3A_300 = tpu.vector_load %arg7[%parallel_loop3A_298, %parallel_loop3A_299] {strides = array<i32>} : memref<50x512xf32, #tpu.memory_space<vmem>>, vector<16xf32>,
        tpu.vector_store %arg7[%parallel_loop3A_298, %parallel_loop3A_299], %parallel_loop3A_296 {strides = array<i32>} : memref<50x512xf32, #tpu.memory_space<vmem>>, vector<16xf32>,
        %parallel_loop3A_301 = arith.constant 27 : i32
        %parallel_loop3A_302 = vector.broadcast %parallel_loop3A_301 : i32 to vector<16xi32>
        %parallel_loop3A_303 = arith.addi %parallel_loop3A_84, %parallel_loop3A_302 : vector<16xi32>
        %parallel_loop3A_304 = tpu.vector_load_idx %arg5[%parallel_loop3A_303] : memref<6500xf32, #tpu.memory_space<vmem>>[vector<16xi32>], vector<16xf32>,
        %parallel_loop3A_305 = arith.constant 27 : i32
        %parallel_loop3A_306 = arith.index_cast %parallel_loop3A_305 : i32 to index
        %parallel_loop3A_307 = arith.index_cast %parallel_loop3A_79 : i32 to index
        %parallel_loop3A_308 = tpu.vector_load %arg7[%parallel_loop3A_306, %parallel_loop3A_307] {strides = array<i32>} : memref<50x512xf32, #tpu.memory_space<vmem>>, vector<16xf32>,
        tpu.vector_store %arg7[%parallel_loop3A_306, %parallel_loop3A_307], %parallel_loop3A_304 {strides = array<i32>} : memref<50x512xf32, #tpu.memory_space<vmem>>, vector<16xf32>,
        %parallel_loop3A_309 = arith.constant 28 : i32
        %parallel_loop3A_310 = vector.broadcast %parallel_loop3A_309 : i32 to vector<16xi32>
        %parallel_loop3A_311 = arith.addi %parallel_loop3A_84, %parallel_loop3A_310 : vector<16xi32>
        %parallel_loop3A_312 = tpu.vector_load_idx %arg5[%parallel_loop3A_311] : memref<6500xf32, #tpu.memory_space<vmem>>[vector<16xi32>], vector<16xf32>,
        %parallel_loop3A_313 = arith.constant 28 : i32
        %parallel_loop3A_314 = arith.index_cast %parallel_loop3A_313 : i32 to index
        %parallel_loop3A_315 = arith.index_cast %parallel_loop3A_79 : i32 to index
        %parallel_loop3A_316 = tpu.vector_load %arg7[%parallel_loop3A_314, %parallel_loop3A_315] {strides = array<i32>} : memref<50x512xf32, #tpu.memory_space<vmem>>, vector<16xf32>,
        tpu.vector_store %arg7[%parallel_loop3A_314, %parallel_loop3A_315], %parallel_loop3A_312 {strides = array<i32>} : memref<50x512xf32, #tpu.memory_space<vmem>>, vector<16xf32>,
        %parallel_loop3A_317 = arith.constant 29 : i32
        %parallel_loop3A_318 = vector.broadcast %parallel_loop3A_317 : i32 to vector<16xi32>
        %parallel_loop3A_319 = arith.addi %parallel_loop3A_84, %parallel_loop3A_318 : vector<16xi32>
        %parallel_loop3A_320 = tpu.vector_load_idx %arg5[%parallel_loop3A_319] : memref<6500xf32, #tpu.memory_space<vmem>>[vector<16xi32>], vector<16xf32>,
        %parallel_loop3A_321 = arith.constant 29 : i32
        %parallel_loop3A_322 = arith.index_cast %parallel_loop3A_321 : i32 to index
        %parallel_loop3A_323 = arith.index_cast %parallel_loop3A_79 : i32 to index
        %parallel_loop3A_324 = tpu.vector_load %arg7[%parallel_loop3A_322, %parallel_loop3A_323] {strides = array<i32>} : memref<50x512xf32, #tpu.memory_space<vmem>>, vector<16xf32>,
        tpu.vector_store %arg7[%parallel_loop3A_322, %parallel_loop3A_323], %parallel_loop3A_320 {strides = array<i32>} : memref<50x512xf32, #tpu.memory_space<vmem>>, vector<16xf32>,
        %parallel_loop3A_325 = arith.constant 30 : i32
        %parallel_loop3A_326 = vector.broadcast %parallel_loop3A_325 : i32 to vector<16xi32>
        %parallel_loop3A_327 = arith.addi %parallel_loop3A_84, %parallel_loop3A_326 : vector<16xi32>
        %parallel_loop3A_328 = tpu.vector_load_idx %arg5[%parallel_loop3A_327] : memref<6500xf32, #tpu.memory_space<vmem>>[vector<16xi32>], vector<16xf32>,
        %parallel_loop3A_329 = arith.constant 30 : i32
        %parallel_loop3A_330 = arith.index_cast %parallel_loop3A_329 : i32 to index
        %parallel_loop3A_331 = arith.index_cast %parallel_loop3A_79 : i32 to index
        %parallel_loop3A_332 = tpu.vector_load %arg7[%parallel_loop3A_330, %parallel_loop3A_331] {strides = array<i32>} : memref<50x512xf32, #tpu.memory_space<vmem>>, vector<16xf32>,
        tpu.vector_store %arg7[%parallel_loop3A_330, %parallel_loop3A_331], %parallel_loop3A_328 {strides = array<i32>} : memref<50x512xf32, #tpu.memory_space<vmem>>, vector<16xf32>,
        %parallel_loop3A_333 = arith.constant 31 : i32
        %parallel_loop3A_334 = vector.broadcast %parallel_loop3A_333 : i32 to vector<16xi32>
        %parallel_loop3A_335 = arith.addi %parallel_loop3A_84, %parallel_loop3A_334 : vector<16xi32>
        %parallel_loop3A_336 = tpu.vector_load_idx %arg5[%parallel_loop3A_335] : memref<6500xf32, #tpu.memory_space<vmem>>[vector<16xi32>], vector<16xf32>,
        %parallel_loop3A_337 = arith.constant 31 : i32
        %parallel_loop3A_338 = arith.index_cast %parallel_loop3A_337 : i32 to index
        %parallel_loop3A_339 = arith.index_cast %parallel_loop3A_79 : i32 to index
        %parallel_loop3A_340 = tpu.vector_load %arg7[%parallel_loop3A_338, %parallel_loop3A_339] {strides = array<i32>} : memref<50x512xf32, #tpu.memory_space<vmem>>, vector<16xf32>,
        tpu.vector_store %arg7[%parallel_loop3A_338, %parallel_loop3A_339], %parallel_loop3A_336 {strides = array<i32>} : memref<50x512xf32, #tpu.memory_space<vmem>>, vector<16xf32>,
        %parallel_loop3A_341 = arith.constant 32 : i32
        %parallel_loop3A_342 = vector.broadcast %parallel_loop3A_341 : i32 to vector<16xi32>
        %parallel_loop3A_343 = arith.addi %parallel_loop3A_84, %parallel_loop3A_342 : vector<16xi32>
        %parallel_loop3A_344 = tpu.vector_load_idx %arg5[%parallel_loop3A_343] : memref<6500xf32, #tpu.memory_space<vmem>>[vector<16xi32>], vector<16xf32>,
        %parallel_loop3A_345 = arith.constant 32 : i32
        %parallel_loop3A_346 = arith.index_cast %parallel_loop3A_345 : i32 to index
        %parallel_loop3A_347 = arith.index_cast %parallel_loop3A_79 : i32 to index
        %parallel_loop3A_348 = tpu.vector_load %arg7[%parallel_loop3A_346, %parallel_loop3A_347] {strides = array<i32>} : memref<50x512xf32, #tpu.memory_space<vmem>>, vector<16xf32>,
        tpu.vector_store %arg7[%parallel_loop3A_346, %parallel_loop3A_347], %parallel_loop3A_344 {strides = array<i32>} : memref<50x512xf32, #tpu.memory_space<vmem>>, vector<16xf32>,
        %parallel_loop3A_349 = arith.constant 33 : i32
        %parallel_loop3A_350 = vector.broadcast %parallel_loop3A_349 : i32 to vector<16xi32>
        %parallel_loop3A_351 = arith.addi %parallel_loop3A_84, %parallel_loop3A_350 : vector<16xi32>
        %parallel_loop3A_352 = tpu.vector_load_idx %arg5[%parallel_loop3A_351] : memref<6500xf32, #tpu.memory_space<vmem>>[vector<16xi32>], vector<16xf32>,
        %parallel_loop3A_353 = arith.constant 33 : i32
        %parallel_loop3A_354 = arith.index_cast %parallel_loop3A_353 : i32 to index
        %parallel_loop3A_355 = arith.index_cast %parallel_loop3A_79 : i32 to index
        %parallel_loop3A_356 = tpu.vector_load %arg7[%parallel_loop3A_354, %parallel_loop3A_355] {strides = array<i32>} : memref<50x512xf32, #tpu.memory_space<vmem>>, vector<16xf32>,
        tpu.vector_store %arg7[%parallel_loop3A_354, %parallel_loop3A_355], %parallel_loop3A_352 {strides = array<i32>} : memref<50x512xf32, #tpu.memory_space<vmem>>, vector<16xf32>,
        %parallel_loop3A_357 = arith.constant 34 : i32
        %parallel_loop3A_358 = vector.broadcast %parallel_loop3A_357 : i32 to vector<16xi32>
        %parallel_loop3A_359 = arith.addi %parallel_loop3A_84, %parallel_loop3A_358 : vector<16xi32>
        %parallel_loop3A_360 = tpu.vector_load_idx %arg5[%parallel_loop3A_359] : memref<6500xf32, #tpu.memory_space<vmem>>[vector<16xi32>], vector<16xf32>,
        %parallel_loop3A_361 = arith.constant 34 : i32
        %parallel_loop3A_362 = arith.index_cast %parallel_loop3A_361 : i32 to index
        %parallel_loop3A_363 = arith.index_cast %parallel_loop3A_79 : i32 to index
        %parallel_loop3A_364 = tpu.vector_load %arg7[%parallel_loop3A_362, %parallel_loop3A_363] {strides = array<i32>} : memref<50x512xf32, #tpu.memory_space<vmem>>, vector<16xf32>,
        tpu.vector_store %arg7[%parallel_loop3A_362, %parallel_loop3A_363], %parallel_loop3A_360 {strides = array<i32>} : memref<50x512xf32, #tpu.memory_space<vmem>>, vector<16xf32>,
        %parallel_loop3A_365 = arith.constant 35 : i32
        %parallel_loop3A_366 = vector.broadcast %parallel_loop3A_365 : i32 to vector<16xi32>
        %parallel_loop3A_367 = arith.addi %parallel_loop3A_84, %parallel_loop3A_366 : vector<16xi32>
        %parallel_loop3A_368 = tpu.vector_load_idx %arg5[%parallel_loop3A_367] : memref<6500xf32, #tpu.memory_space<vmem>>[vector<16xi32>], vector<16xf32>,
        %parallel_loop3A_369 = arith.constant 35 : i32
        %parallel_loop3A_370 = arith.index_cast %parallel_loop3A_369 : i32 to index
        %parallel_loop3A_371 = arith.index_cast %parallel_loop3A_79 : i32 to index
        %parallel_loop3A_372 = tpu.vector_load %arg7[%parallel_loop3A_370, %parallel_loop3A_371] {strides = array<i32>} : memref<50x512xf32, #tpu.memory_space<vmem>>, vector<16xf32>,
        tpu.vector_store %arg7[%parallel_loop3A_370, %parallel_loop3A_371], %parallel_loop3A_368 {strides = array<i32>} : memref<50x512xf32, #tpu.memory_space<vmem>>, vector<16xf32>,
        %parallel_loop3A_373 = arith.constant 36 : i32
        %parallel_loop3A_374 = vector.broadcast %parallel_loop3A_373 : i32 to vector<16xi32>
        %parallel_loop3A_375 = arith.addi %parallel_loop3A_84, %parallel_loop3A_374 : vector<16xi32>
        %parallel_loop3A_376 = tpu.vector_load_idx %arg5[%parallel_loop3A_375] : memref<6500xf32, #tpu.memory_space<vmem>>[vector<16xi32>], vector<16xf32>,
        %parallel_loop3A_377 = arith.constant 36 : i32
        %parallel_loop3A_378 = arith.index_cast %parallel_loop3A_377 : i32 to index
        %parallel_loop3A_379 = arith.index_cast %parallel_loop3A_79 : i32 to index
        %parallel_loop3A_380 = tpu.vector_load %arg7[%parallel_loop3A_378, %parallel_loop3A_379] {strides = array<i32>} : memref<50x512xf32, #tpu.memory_space<vmem>>, vector<16xf32>,
        tpu.vector_store %arg7[%parallel_loop3A_378, %parallel_loop3A_379], %parallel_loop3A_376 {strides = array<i32>} : memref<50x512xf32, #tpu.memory_space<vmem>>, vector<16xf32>,
        %parallel_loop3A_381 = arith.constant 37 : i32
        %parallel_loop3A_382 = vector.broadcast %parallel_loop3A_381 : i32 to vector<16xi32>
        %parallel_loop3A_383 = arith.addi %parallel_loop3A_84, %parallel_loop3A_382 : vector<16xi32>
        %parallel_loop3A_384 = tpu.vector_load_idx %arg5[%parallel_loop3A_383] : memref<6500xf32, #tpu.memory_space<vmem>>[vector<16xi32>], vector<16xf32>,
        %parallel_loop3A_385 = arith.constant 37 : i32
        %parallel_loop3A_386 = arith.index_cast %parallel_loop3A_385 : i32 to index
        %parallel_loop3A_387 = arith.index_cast %parallel_loop3A_79 : i32 to index
        %parallel_loop3A_388 = tpu.vector_load %arg7[%parallel_loop3A_386, %parallel_loop3A_387] {strides = array<i32>} : memref<50x512xf32, #tpu.memory_space<vmem>>, vector<16xf32>,
        tpu.vector_store %arg7[%parallel_loop3A_386, %parallel_loop3A_387], %parallel_loop3A_384 {strides = array<i32>} : memref<50x512xf32, #tpu.memory_space<vmem>>, vector<16xf32>,
        %parallel_loop3A_389 = arith.constant 38 : i32
        %parallel_loop3A_390 = vector.broadcast %parallel_loop3A_389 : i32 to vector<16xi32>
        %parallel_loop3A_391 = arith.addi %parallel_loop3A_84, %parallel_loop3A_390 : vector<16xi32>
        %parallel_loop3A_392 = tpu.vector_load_idx %arg5[%parallel_loop3A_391] : memref<6500xf32, #tpu.memory_space<vmem>>[vector<16xi32>], vector<16xf32>,
        %parallel_loop3A_393 = arith.constant 38 : i32
        %parallel_loop3A_394 = arith.index_cast %parallel_loop3A_393 : i32 to index
        %parallel_loop3A_395 = arith.index_cast %parallel_loop3A_79 : i32 to index
        %parallel_loop3A_396 = tpu.vector_load %arg7[%parallel_loop3A_394, %parallel_loop3A_395] {strides = array<i32>} : memref<50x512xf32, #tpu.memory_space<vmem>>, vector<16xf32>,
        tpu.vector_store %arg7[%parallel_loop3A_394, %parallel_loop3A_395], %parallel_loop3A_392 {strides = array<i32>} : memref<50x512xf32, #tpu.memory_space<vmem>>, vector<16xf32>,
        %parallel_loop3A_397 = arith.constant 39 : i32
        %parallel_loop3A_398 = vector.broadcast %parallel_loop3A_397 : i32 to vector<16xi32>
        %parallel_loop3A_399 = arith.addi %parallel_loop3A_84, %parallel_loop3A_398 : vector<16xi32>
        %parallel_loop3A_400 = tpu.vector_load_idx %arg5[%parallel_loop3A_399] : memref<6500xf32, #tpu.memory_space<vmem>>[vector<16xi32>], vector<16xf32>,
        %parallel_loop3A_401 = arith.constant 39 : i32
        %parallel_loop3A_402 = arith.index_cast %parallel_loop3A_401 : i32 to index
        %parallel_loop3A_403 = arith.index_cast %parallel_loop3A_79 : i32 to index
        %parallel_loop3A_404 = tpu.vector_load %arg7[%parallel_loop3A_402, %parallel_loop3A_403] {strides = array<i32>} : memref<50x512xf32, #tpu.memory_space<vmem>>, vector<16xf32>,
        tpu.vector_store %arg7[%parallel_loop3A_402, %parallel_loop3A_403], %parallel_loop3A_400 {strides = array<i32>} : memref<50x512xf32, #tpu.memory_space<vmem>>, vector<16xf32>,
        %parallel_loop3A_405 = arith.constant 40 : i32
        %parallel_loop3A_406 = vector.broadcast %parallel_loop3A_405 : i32 to vector<16xi32>
        %parallel_loop3A_407 = arith.addi %parallel_loop3A_84, %parallel_loop3A_406 : vector<16xi32>
        %parallel_loop3A_408 = tpu.vector_load_idx %arg5[%parallel_loop3A_407] : memref<6500xf32, #tpu.memory_space<vmem>>[vector<16xi32>], vector<16xf32>,
        %parallel_loop3A_409 = arith.constant 40 : i32
        %parallel_loop3A_410 = arith.index_cast %parallel_loop3A_409 : i32 to index
        %parallel_loop3A_411 = arith.index_cast %parallel_loop3A_79 : i32 to index
        %parallel_loop3A_412 = tpu.vector_load %arg7[%parallel_loop3A_410, %parallel_loop3A_411] {strides = array<i32>} : memref<50x512xf32, #tpu.memory_space<vmem>>, vector<16xf32>,
        tpu.vector_store %arg7[%parallel_loop3A_410, %parallel_loop3A_411], %parallel_loop3A_408 {strides = array<i32>} : memref<50x512xf32, #tpu.memory_space<vmem>>, vector<16xf32>,
        %parallel_loop3A_413 = arith.constant 41 : i32
        %parallel_loop3A_414 = vector.broadcast %parallel_loop3A_413 : i32 to vector<16xi32>
        %parallel_loop3A_415 = arith.addi %parallel_loop3A_84, %parallel_loop3A_414 : vector<16xi32>
        %parallel_loop3A_416 = tpu.vector_load_idx %arg5[%parallel_loop3A_415] : memref<6500xf32, #tpu.memory_space<vmem>>[vector<16xi32>], vector<16xf32>,
        %parallel_loop3A_417 = arith.constant 41 : i32
        %parallel_loop3A_418 = arith.index_cast %parallel_loop3A_417 : i32 to index
        %parallel_loop3A_419 = arith.index_cast %parallel_loop3A_79 : i32 to index
        %parallel_loop3A_420 = tpu.vector_load %arg7[%parallel_loop3A_418, %parallel_loop3A_419] {strides = array<i32>} : memref<50x512xf32, #tpu.memory_space<vmem>>, vector<16xf32>,
        tpu.vector_store %arg7[%parallel_loop3A_418, %parallel_loop3A_419], %parallel_loop3A_416 {strides = array<i32>} : memref<50x512xf32, #tpu.memory_space<vmem>>, vector<16xf32>,
        %parallel_loop3A_421 = arith.constant 42 : i32
        %parallel_loop3A_422 = vector.broadcast %parallel_loop3A_421 : i32 to vector<16xi32>
        %parallel_loop3A_423 = arith.addi %parallel_loop3A_84, %parallel_loop3A_422 : vector<16xi32>
        %parallel_loop3A_424 = tpu.vector_load_idx %arg5[%parallel_loop3A_423] : memref<6500xf32, #tpu.memory_space<vmem>>[vector<16xi32>], vector<16xf32>,
        %parallel_loop3A_425 = arith.constant 42 : i32
        %parallel_loop3A_426 = arith.index_cast %parallel_loop3A_425 : i32 to index
        %parallel_loop3A_427 = arith.index_cast %parallel_loop3A_79 : i32 to index
        %parallel_loop3A_428 = tpu.vector_load %arg7[%parallel_loop3A_426, %parallel_loop3A_427] {strides = array<i32>} : memref<50x512xf32, #tpu.memory_space<vmem>>, vector<16xf32>,
        tpu.vector_store %arg7[%parallel_loop3A_426, %parallel_loop3A_427], %parallel_loop3A_424 {strides = array<i32>} : memref<50x512xf32, #tpu.memory_space<vmem>>, vector<16xf32>,
        %parallel_loop3A_429 = arith.constant 43 : i32
        %parallel_loop3A_430 = vector.broadcast %parallel_loop3A_429 : i32 to vector<16xi32>
        %parallel_loop3A_431 = arith.addi %parallel_loop3A_84, %parallel_loop3A_430 : vector<16xi32>
        %parallel_loop3A_432 = tpu.vector_load_idx %arg5[%parallel_loop3A_431] : memref<6500xf32, #tpu.memory_space<vmem>>[vector<16xi32>], vector<16xf32>,
        %parallel_loop3A_433 = arith.constant 43 : i32
        %parallel_loop3A_434 = arith.index_cast %parallel_loop3A_433 : i32 to index
        %parallel_loop3A_435 = arith.index_cast %parallel_loop3A_79 : i32 to index
        %parallel_loop3A_436 = tpu.vector_load %arg7[%parallel_loop3A_434, %parallel_loop3A_435] {strides = array<i32>} : memref<50x512xf32, #tpu.memory_space<vmem>>, vector<16xf32>,
        tpu.vector_store %arg7[%parallel_loop3A_434, %parallel_loop3A_435], %parallel_loop3A_432 {strides = array<i32>} : memref<50x512xf32, #tpu.memory_space<vmem>>, vector<16xf32>,
        %parallel_loop3A_437 = arith.constant 44 : i32
        %parallel_loop3A_438 = vector.broadcast %parallel_loop3A_437 : i32 to vector<16xi32>
        %parallel_loop3A_439 = arith.addi %parallel_loop3A_84, %parallel_loop3A_438 : vector<16xi32>
        %parallel_loop3A_440 = tpu.vector_load_idx %arg5[%parallel_loop3A_439] : memref<6500xf32, #tpu.memory_space<vmem>>[vector<16xi32>], vector<16xf32>,
        %parallel_loop3A_441 = arith.constant 44 : i32
        %parallel_loop3A_442 = arith.index_cast %parallel_loop3A_441 : i32 to index
        %parallel_loop3A_443 = arith.index_cast %parallel_loop3A_79 : i32 to index
        %parallel_loop3A_444 = tpu.vector_load %arg7[%parallel_loop3A_442, %parallel_loop3A_443] {strides = array<i32>} : memref<50x512xf32, #tpu.memory_space<vmem>>, vector<16xf32>,
        tpu.vector_store %arg7[%parallel_loop3A_442, %parallel_loop3A_443], %parallel_loop3A_440 {strides = array<i32>} : memref<50x512xf32, #tpu.memory_space<vmem>>, vector<16xf32>,
        %parallel_loop3A_445 = arith.constant 45 : i32
        %parallel_loop3A_446 = vector.broadcast %parallel_loop3A_445 : i32 to vector<16xi32>
        %parallel_loop3A_447 = arith.addi %parallel_loop3A_84, %parallel_loop3A_446 : vector<16xi32>
        %parallel_loop3A_448 = tpu.vector_load_idx %arg5[%parallel_loop3A_447] : memref<6500xf32, #tpu.memory_space<vmem>>[vector<16xi32>], vector<16xf32>,
        %parallel_loop3A_449 = arith.constant 45 : i32
        %parallel_loop3A_450 = arith.index_cast %parallel_loop3A_449 : i32 to index
        %parallel_loop3A_451 = arith.index_cast %parallel_loop3A_79 : i32 to index
        %parallel_loop3A_452 = tpu.vector_load %arg7[%parallel_loop3A_450, %parallel_loop3A_451] {strides = array<i32>} : memref<50x512xf32, #tpu.memory_space<vmem>>, vector<16xf32>,
        tpu.vector_store %arg7[%parallel_loop3A_450, %parallel_loop3A_451], %parallel_loop3A_448 {strides = array<i32>} : memref<50x512xf32, #tpu.memory_space<vmem>>, vector<16xf32>,
        %parallel_loop3A_453 = arith.constant 46 : i32
        %parallel_loop3A_454 = vector.broadcast %parallel_loop3A_453 : i32 to vector<16xi32>
        %parallel_loop3A_455 = arith.addi %parallel_loop3A_84, %parallel_loop3A_454 : vector<16xi32>
        %parallel_loop3A_456 = tpu.vector_load_idx %arg5[%parallel_loop3A_455] : memref<6500xf32, #tpu.memory_space<vmem>>[vector<16xi32>], vector<16xf32>,
        %parallel_loop3A_457 = arith.constant 46 : i32
        %parallel_loop3A_458 = arith.index_cast %parallel_loop3A_457 : i32 to index
        %parallel_loop3A_459 = arith.index_cast %parallel_loop3A_79 : i32 to index
        %parallel_loop3A_460 = tpu.vector_load %arg7[%parallel_loop3A_458, %parallel_loop3A_459] {strides = array<i32>} : memref<50x512xf32, #tpu.memory_space<vmem>>, vector<16xf32>,
        tpu.vector_store %arg7[%parallel_loop3A_458, %parallel_loop3A_459], %parallel_loop3A_456 {strides = array<i32>} : memref<50x512xf32, #tpu.memory_space<vmem>>, vector<16xf32>,
        %parallel_loop3A_461 = arith.constant 47 : i32
        %parallel_loop3A_462 = vector.broadcast %parallel_loop3A_461 : i32 to vector<16xi32>
        %parallel_loop3A_463 = arith.addi %parallel_loop3A_84, %parallel_loop3A_462 : vector<16xi32>
        %parallel_loop3A_464 = tpu.vector_load_idx %arg5[%parallel_loop3A_463] : memref<6500xf32, #tpu.memory_space<vmem>>[vector<16xi32>], vector<16xf32>,
        %parallel_loop3A_465 = arith.constant 47 : i32
        %parallel_loop3A_466 = arith.index_cast %parallel_loop3A_465 : i32 to index
        %parallel_loop3A_467 = arith.index_cast %parallel_loop3A_79 : i32 to index
        %parallel_loop3A_468 = tpu.vector_load %arg7[%parallel_loop3A_466, %parallel_loop3A_467] {strides = array<i32>} : memref<50x512xf32, #tpu.memory_space<vmem>>, vector<16xf32>,
        tpu.vector_store %arg7[%parallel_loop3A_466, %parallel_loop3A_467], %parallel_loop3A_464 {strides = array<i32>} : memref<50x512xf32, #tpu.memory_space<vmem>>, vector<16xf32>,
        %parallel_loop3A_469 = arith.constant 48 : i32
        %parallel_loop3A_470 = vector.broadcast %parallel_loop3A_469 : i32 to vector<16xi32>
        %parallel_loop3A_471 = arith.addi %parallel_loop3A_84, %parallel_loop3A_470 : vector<16xi32>
        %parallel_loop3A_472 = tpu.vector_load_idx %arg5[%parallel_loop3A_471] : memref<6500xf32, #tpu.memory_space<vmem>>[vector<16xi32>], vector<16xf32>,
        %parallel_loop3A_473 = arith.constant 48 : i32
        %parallel_loop3A_474 = arith.index_cast %parallel_loop3A_473 : i32 to index
        %parallel_loop3A_475 = arith.index_cast %parallel_loop3A_79 : i32 to index
        %parallel_loop3A_476 = tpu.vector_load %arg7[%parallel_loop3A_474, %parallel_loop3A_475] {strides = array<i32>} : memref<50x512xf32, #tpu.memory_space<vmem>>, vector<16xf32>,
        tpu.vector_store %arg7[%parallel_loop3A_474, %parallel_loop3A_475], %parallel_loop3A_472 {strides = array<i32>} : memref<50x512xf32, #tpu.memory_space<vmem>>, vector<16xf32>,
        %parallel_loop3A_477 = arith.constant 49 : i32
        %parallel_loop3A_478 = vector.broadcast %parallel_loop3A_477 : i32 to vector<16xi32>
        %parallel_loop3A_479 = arith.addi %parallel_loop3A_84, %parallel_loop3A_478 : vector<16xi32>
        %parallel_loop3A_480 = tpu.vector_load_idx %arg5[%parallel_loop3A_479] : memref<6500xf32, #tpu.memory_space<vmem>>[vector<16xi32>], vector<16xf32>,
        %parallel_loop3A_481 = arith.constant 49 : i32
        %parallel_loop3A_482 = arith.index_cast %parallel_loop3A_481 : i32 to index
        %parallel_loop3A_483 = arith.index_cast %parallel_loop3A_79 : i32 to index
        %parallel_loop3A_484 = tpu.vector_load %arg7[%parallel_loop3A_482, %parallel_loop3A_483] {strides = array<i32>} : memref<50x512xf32, #tpu.memory_space<vmem>>, vector<16xf32>,
        tpu.vector_store %arg7[%parallel_loop3A_482, %parallel_loop3A_483], %parallel_loop3A_480 {strides = array<i32>} : memref<50x512xf32, #tpu.memory_space<vmem>>, vector<16xf32>,
      } {sc.loop_unroll_factor = 4 : i64, sc.parallel_access}
      %add3A_66 = arith.addi %mul3A_2, %multiple_of3A : i32
      %dma_start3A_67 = arith.constant 0 : i32
      %dma_start3A_68 = tpu.memref_slice %arg7[%dma_start3A_67, %multiple_of3A] : memref<50x512xf32, #tpu.memory_space<vmem>> -> memref<50x128xf32, #tpu.memory_space<vmem>>
      %dma_start3A_69 = arith.constant 0 : i32
      %dma_start3A_70 = tpu.memref_slice %arg4[%dma_start3A_69, %add3A_66] : memref<50x16384xf32, #tpu.memory_space<hbm>> -> memref<50x128xf32, #tpu.memory_space<hbm>>
      %dma_start3A_71 = arith.constant 0 : i32
      %dma_start3A_72 = tpu.memref_slice %arg4[%dma_start3A_71, %add3A_66] : memref<50x16384xf32, #tpu.memory_space<hbm>> -> memref<50x128xf32, #tpu.memory_space<hbm>>
      %dma_start3A_73 = arith.constant 0 : i32
      %dma_start3A_74 = tpu.memref_slice %arg7[%dma_start3A_73, %multiple_of3A] : memref<50x512xf32, #tpu.memory_space<vmem>> -> memref<50x128xf32, #tpu.memory_space<vmem>>
      tpu.enqueue_dma source(%dma_start3A_74 : memref<50x128xf32, #tpu.memory_space<vmem>>) target(%dma_start3A_72 : memref<50x128xf32, #tpu.memory_space<hbm>>) target_semaphore(%arg9 : memref<!tpu.dma_semaphore, #tpu.memory_space<semaphore_mem>>)
    }
    %scan3A_8 = arith.constant 4 : i32
    %add3A_9 = arith.constant 0 : i32
    %add3A_10 = arith.addi %mul3A_2, %add3A_9 : i32
    %dma_wait3A_11 = arith.constant 0 : i32
    %dma_wait3A_12 = arith.constant 0 : i32
    %dma_wait3A_13 = tpu.memref_slice %arg7[%dma_wait3A_11, %dma_wait3A_12] : memref<50x512xf32, #tpu.memory_space<vmem>> -> memref<50x128xf32, #tpu.memory_space<vmem>>
    %dma_wait3A_14 = arith.constant 0 : i32
    %dma_wait3A_15 = tpu.memref_slice %arg4[%dma_wait3A_14, %add3A_10] : memref<50x16384xf32, #tpu.memory_space<hbm>> -> memref<50x128xf32, #tpu.memory_space<hbm>>
    %dma_wait3A_16 = arith.constant 0 : i32
    %dma_wait3A_17 = tpu.memref_slice %arg4[%dma_wait3A_16, %add3A_10] : memref<50x16384xf32, #tpu.memory_space<hbm>> -> memref<50x128xf32, #tpu.memory_space<hbm>>
    %dma_wait3A_18 = arith.constant 0 : i32
    %dma_wait3A_19 = arith.constant 0 : i32
    %dma_wait3A_20 = tpu.memref_slice %arg7[%dma_wait3A_18, %dma_wait3A_19] : memref<50x512xf32, #tpu.memory_space<vmem>> -> memref<50x128xf32, #tpu.memory_space<vmem>>
    tpu.wait_dma2 semaphore(%arg9 : memref<!tpu.dma_semaphore, #tpu.memory_space<semaphore_mem>>) src(%dma_wait3A_20 : memref<50x128xf32, #tpu.memory_space<vmem>>) dst(%dma_wait3A_17 : memref<50x128xf32, #tpu.memory_space<hbm>>)
    %add3A_21 = arith.constant 128 : i32
    %add3A_22 = arith.addi %mul3A_2, %add3A_21 : i32
    %dma_wait3A_23 = arith.constant 0 : i32
    %dma_wait3A_24 = arith.constant 128 : i32
    %dma_wait3A_25 = tpu.memref_slice %arg7[%dma_wait3A_23, %dma_wait3A_24] : memref<50x512xf32, #tpu.memory_space<vmem>> -> memref<50x128xf32, #tpu.memory_space<vmem>>
    %dma_wait3A_26 = arith.constant 0 : i32
    %dma_wait3A_27 = tpu.memref_slice %arg4[%dma_wait3A_26, %add3A_22] : memref<50x16384xf32, #tpu.memory_space<hbm>> -> memref<50x128xf32, #tpu.memory_space<hbm>>
    %dma_wait3A_28 = arith.constant 0 : i32
    %dma_wait3A_29 = tpu.memref_slice %arg4[%dma_wait3A_28, %add3A_22] : memref<50x16384xf32, #tpu.memory_space<hbm>> -> memref<50x128xf32, #tpu.memory_space<hbm>>
    %dma_wait3A_30 = arith.constant 0 : i32
    %dma_wait3A_31 = arith.constant 128 : i32
    %dma_wait3A_32 = tpu.memref_slice %arg7[%dma_wait3A_30, %dma_wait3A_31] : memref<50x512xf32, #tpu.memory_space<vmem>> -> memref<50x128xf32, #tpu.memory_space<vmem>>
    tpu.wait_dma2 semaphore(%arg9 : memref<!tpu.dma_semaphore, #tpu.memory_space<semaphore_mem>>) src(%dma_wait3A_32 : memref<50x128xf32, #tpu.memory_space<vmem>>) dst(%dma_wait3A_29 : memref<50x128xf32, #tpu.memory_space<hbm>>)
    %add3A_33 = arith.constant 256 : i32
    %add3A_34 = arith.addi %mul3A_2, %add3A_33 : i32
    %dma_wait3A_35 = arith.constant 0 : i32
    %dma_wait3A_36 = arith.constant 256 : i32
    %dma_wait3A_37 = tpu.memref_slice %arg7[%dma_wait3A_35, %dma_wait3A_36] : memref<50x512xf32, #tpu.memory_space<vmem>> -> memref<50x128xf32, #tpu.memory_space<vmem>>
    %dma_wait3A_38 = arith.constant 0 : i32
    %dma_wait3A_39 = tpu.memref_slice %arg4[%dma_wait3A_38, %add3A_34] : memref<50x16384xf32, #tpu.memory_space<hbm>> -> memref<50x128xf32, #tpu.memory_space<hbm>>
    %dma_wait3A_40 = arith.constant 0 : i32
    %dma_wait3A_41 = tpu.memref_slice %arg4[%dma_wait3A_40, %add3A_34] : memref<50x16384xf32, #tpu.memory_space<hbm>> -> memref<50x128xf32, #tpu.memory_space<hbm>>
    %dma_wait3A_42 = arith.constant 0 : i32
    %dma_wait3A_43 = arith.constant 256 : i32
    %dma_wait3A_44 = tpu.memref_slice %arg7[%dma_wait3A_42, %dma_wait3A_43] : memref<50x512xf32, #tpu.memory_space<vmem>> -> memref<50x128xf32, #tpu.memory_space<vmem>>
    tpu.wait_dma2 semaphore(%arg9 : memref<!tpu.dma_semaphore, #tpu.memory_space<semaphore_mem>>) src(%dma_wait3A_44 : memref<50x128xf32, #tpu.memory_space<vmem>>) dst(%dma_wait3A_41 : memref<50x128xf32, #tpu.memory_space<hbm>>)
    %add3A_45 = arith.constant 384 : i32
    %add3A_46 = arith.addi %mul3A_2, %add3A_45 : i32
    %dma_wait3A_47 = arith.constant 0 : i32
    %dma_wait3A_48 = arith.constant 384 : i32
    %dma_wait3A_49 = tpu.memref_slice %arg7[%dma_wait3A_47, %dma_wait3A_48] : memref<50x512xf32, #tpu.memory_space<vmem>> -> memref<50x128xf32, #tpu.memory_space<vmem>>
    %dma_wait3A_50 = arith.constant 0 : i32
    %dma_wait3A_51 = tpu.memref_slice %arg4[%dma_wait3A_50, %add3A_46] : memref<50x16384xf32, #tpu.memory_space<hbm>> -> memref<50x128xf32, #tpu.memory_space<hbm>>
    %dma_wait3A_52 = arith.constant 0 : i32
    %dma_wait3A_53 = tpu.memref_slice %arg4[%dma_wait3A_52, %add3A_46] : memref<50x16384xf32, #tpu.memory_space<hbm>> -> memref<50x128xf32, #tpu.memory_space<hbm>>
    %dma_wait3A_54 = arith.constant 0 : i32
    %dma_wait3A_55 = arith.constant 384 : i32
    %dma_wait3A_56 = tpu.memref_slice %arg7[%dma_wait3A_54, %dma_wait3A_55] : memref<50x512xf32, #tpu.memory_space<vmem>> -> memref<50x128xf32, #tpu.memory_space<vmem>>
    tpu.wait_dma2 semaphore(%arg9 : memref<!tpu.dma_semaphore, #tpu.memory_space<semaphore_mem>>) src(%dma_wait3A_56 : memref<50x128xf32, #tpu.memory_space<vmem>>) dst(%dma_wait3A_53 : memref<50x128xf32, #tpu.memory_space<hbm>>)
    return
  }
}

</mosaic_0001>

<sc_bundles>
// kernel: kernel.3.cloned.1.call-start
scs
__scs_entry_jumppad:
0x0: {  	(pc) =	sbr.rel $0x88, $3  }
0x1: {  	(tag) =	ssettag $0x0;
	lr =	simm.s32 $0x1  }
0x2: {  	[smem:$0x3F9F] =	sst lr;
	_ =	strace $0xD0000000  }
0x3: {  	_ = 	snop  }
0x4: {  	_ = 	snop  }
0x5: {  	_ = 	snop  }
0x6: {  	_ = 	snop  }
0x7: {  	_ = 	snop  }
__scs_overlays_trampoline_lowered:
0x8: {  	[smem:$0x3FAE] =	sst s0  }
0x9: {  	[smem:$0x3FAF] =	sst s1  }
0xa: {  	[smem:$0x3FB0] =	sst s2  }
0xb: {  	[smem:$0x3FB1] =	sst s3  }
0xc: {  	[smem:$0x3FB2] =	sst s4  }
0xd: {  	[smem:$0x3FB3] =	sst s5  }
0xe: {  	[smem:$0x3FB4] =	sst s6  }
0xf: {  	[smem:$0x3FB5] =	sst s7  }
0x10: {  	[smem:$0x3FB6] =	sst s8  }
0x11: {  	[smem:$0x3FB7] =	sst s9;
	s0 =	simm.s32 @!p0 $0x0  }
0x12: {  	s1 =	sld [smem:$0x3F9D];
	s0 =	simm.s32 @p0 $0x1  }
0x13: {  	[smem:$0x3FB8] =	sst s0;
	s0 =	simm.s32 @!p1 $0x0  }
0x14: {  	s2 =	sld [smem:$0x3F9C];
	s0 =	simm.s32 @p1 $0x1  }
0x15: {  	[smem:$0x3FB9] =	sst s0;
	s0 =	simm.s32 @!p2 $0x0  }
0x16: {  	s3 =	sld [smem:$0x3FDB];
	s0 =	simm.s32 @p2 $0x1  }
0x17: {  	s4 =	simm.s32 $0x1BF5;
	[smem:$0x3FBB] =	sst s0  }
0x18: {  	s0 =	sld [smem:$0x3F9E];
	_ =	swait.ge [sflag:s4], $0x0  }
0x19: {  	s7 =	sld [smem:$0x3F9F]  }
0x1a: {  	s8 =	sadd.s32 $0xFFFFE003, lr  }
0x1b: {  	s9 =	sadd.s32 $0xFFFFFEF7, lr;
	s5 =	simm.s32 $0xFFFFFFFF;
	p2 =	slt.u32 s8, $0xFFFFF086  }
0x1c: {  	p1 =	slt.u32 s9, $0xF7A;
	s5 =	simm.s32 @!p2 $0x0  }
0x1d: {  	s5 =	simm.s32 @p1 $0x1;
	p0 =	seq.s32 s7, s2  }
0x1e: {  	s7 =	smul.u32 @!p0 $0xF7A, s2;
	p2 =	seq.s32 @!p0 s5, $0x0  }
0x1f: {  	s9 =	smul.u32 $0xF7A, s1;
	s8 =	simm.s32 @!p0 $0x1BF5;
	p2 =	por !p2, p0  }
0x20: {  	[sflag:s8] =	ssyncset.s32 @!p0 $0xFFFFF086;
	s6 =	sadd.s32 @!p0 s3, s7;
	s7 =	simm.s32 @!p0 $0x108  }
0x21: {  	s3 =	sadd.s32 s3, s9;
	s6 =	sadd.s32 @!p0 $0x88, s6;
	s7 =	simm.s32 @p2 $0x1082  }
0x22: {  	[simem:s7], [sflag:s8] =	dma.local @!p0 [hbm:s6], $0xF7A  }
0x23: {  	s9 =	sor.u32 $0xD0000000, s2;
	s6 =	simm.s32 $0x108;
	_ =	swait.ge @!p0 [sflag:s8], $0x0  }
0x24: {  	s3 =	sadd.s32 $0x88, s3;
	s6 =	simm.s32 @!p1 $0x1082;
	[sflag:s4] =	ssyncset.s32 $0xFFFFF086  }
0x25: {  	[simem:s6], [sflag:s4] =	dma.local [hbm:s3], $0xF7A  }
0x26: {  	[smem:$0x3F9F] =	sst s1;
	(tag) =	ssettag s2;
	_ =	strace s9  }
0x27: {  	s1 =	sld [smem:$0x3FAF]  }
0x28: {  	s2 =	sld [smem:$0x3FB0]  }
0x29: {  	s4 =	sld [smem:$0x3FB2]  }
0x2a: {  	p0 =	seq.s32 s5, $0x0;
	s5 =	sld [smem:$0x3FB3]  }
0x2b: {  	s6 =	sld [smem:$0x3FB4]  }
0x2c: {  	s7 =	sld [smem:$0x3FB5]  }
0x2d: {  	s3 =	simm.s32 $0x108;
	s8 =	sld [smem:$0x3FB6]  }
0x2e: {  	s3 =	simm.s32 @!p0 $0x1082;
	s9 =	sld [smem:$0x3FB7]  }
0x2f: {  	lr =	sadd.s32 s0, s3;
	s0 =	sld [smem:$0x3FAE]  }
0x30: {  	s3 =	sld [smem:$0x3FB1]  }
0x31: {  	[smem:$0x3FBA] =	sst s10  }
0x32: {  	s10 =	sld [smem:$0x3FB8];
	_ =	sdelay $0x3  }
0x33: {  	p0 =	seq.s32 s10, $0x1;
	s10 =	sld [smem:$0x3FBA];
	_ =	sdelay $0x3  }
0x34: {  	[smem:$0x3FBA] =	sst s10  }
0x35: {  	s10 =	sld [smem:$0x3FB9];
	_ =	sdelay $0x3  }
0x36: {  	p1 =	seq.s32 s10, $0x1;
	s10 =	sld [smem:$0x3FBA];
	_ =	sdelay $0x3  }
0x37: {  	[smem:$0x3FBA] =	sst s10  }
0x38: {  	s10 =	sld [smem:$0x3FBB]  }
0x39: {  	_ = 	snop;
	(pc) =	sbr.ind lr, $3  }
0x3a: {  	_ = 	snop  }
0x3b: {  	_ = 	snop  }
0x3c: {  	p2 =	seq.s32 s10, $0x1;
	s10 =	sld [smem:$0x3FBA]  }
0x3d: {  	_ =	shalt  }
0x3e: {  	_ =	shalt  }
0x3f: {  	_ =	shalt  }
0x40: {  	_ =	shalt  }
0x41: {  	_ =	shalt  }
0x42: {  	_ =	shalt  }
0x43: {  	_ =	shalt  }
0x44: {  	_ =	shalt  }
0x45: {  	_ =	shalt  }
0x46: {  	_ =	shalt  }
0x47: {  	_ =	shalt  }
0x48: {  	_ =	shalt  }
0x49: {  	_ =	shalt  }
0x4a: {  	_ =	shalt  }
0x4b: {  	_ =	shalt  }
0x4c: {  	_ =	shalt  }
0x4d: {  	_ =	shalt  }
0x4e: {  	_ =	shalt  }
0x4f: {  	_ =	shalt  }
0x50: {  	_ =	shalt  }
0x51: {  	_ =	shalt  }
0x52: {  	_ =	shalt  }
0x53: {  	_ =	shalt  }
0x54: {  	_ =	shalt  }
0x55: {  	_ =	shalt  }
0x56: {  	_ =	shalt  }
0x57: {  	_ =	shalt  }
0x58: {  	_ =	shalt  }
0x59: {  	_ =	shalt  }
0x5a: {  	_ =	shalt  }
0x5b: {  	_ =	shalt  }
0x5c: {  	_ =	shalt  }
0x5d: {  	_ =	shalt  }
0x5e: {  	_ =	shalt  }
0x5f: {  	_ =	shalt  }
0x60: {  	_ =	shalt  }
0x61: {  	_ =	shalt  }
0x62: {  	_ =	shalt  }
0x63: {  	_ =	shalt  }
0x64: {  	_ =	shalt  }
0x65: {  	_ =	shalt  }
0x66: {  	_ =	shalt  }
0x67: {  	_ =	shalt  }
0x68: {  	_ =	shalt  }
0x69: {  	_ =	shalt  }
0x6a: {  	_ =	shalt  }
0x6b: {  	_ =	shalt  }
0x6c: {  	_ =	shalt  }
0x6d: {  	_ =	shalt  }
0x6e: {  	_ =	shalt  }
0x6f: {  	_ =	shalt  }
0x70: {  	_ =	shalt  }
0x71: {  	_ =	shalt  }
0x72: {  	_ =	shalt  }
0x73: {  	_ =	shalt  }
0x74: {  	_ =	shalt  }
0x75: {  	_ =	shalt  }
0x76: {  	_ =	shalt  }
0x77: {  	_ =	shalt  }
0x78: {  	_ =	shalt  }
0x79: {  	_ =	shalt  }
0x7a: {  	_ =	shalt  }
0x7b: {  	_ =	shalt  }
0x7c: {  	_ =	shalt  }
0x7d: {  	_ =	shalt  }
0x7e: {  	_ =	shalt  }
0x7f: {  	_ =	shalt  }
0x80: {  	_ =	shalt  }
0x81: {  	_ =	shalt  }
0x82: {  	_ =	shalt  }
0x83: {  	_ =	shalt  }
0x84: {  	_ =	shalt  }
0x85: {  	_ =	shalt  }
0x86: {  	_ =	shalt  }
0x87: {  	_ =	shalt  }
.Lfunc_end0:
.L_simem_size_0:
called_computation_lowered:
.L_overlay_start_0:
0x88: {  	s2 =	sld [smem:$0x3FD9]  }
0x89: {  	s3 =	sld [smem:$0x3FFE];
	_ =	sdelay $0x1  }
0x8a: {  	s1 =	srdreg.scid  }
0x8b: {  	s0 =	sand.u32 $0x1, s1  }
0x8c: {  	s17 =	sshll.u32 s0, $0xA;
	s2 =	sadd.s32 s3, s2  }
0x8d: {  	s2 =	sadd.s32 s2, s17  }
0x8e: {  	[smem:$0x3FC6] =	sst s2  }
0x8f: {  	_ = 	snop  }
0x90: {  	s2 =	sld [smem:$0x3FC8]  }
0x91: {  	s18 =	sld [smem:$0x3FD0];
	(tm) =	ssettm $0x1  }
0x92: {  	s4 =	sld [smem:$0x3FFB];
	_ =	sdelay $0x3  }
0x93: {  	_ =	strace s4  }
0x94: {  	s4 =	sld [smem:$0x3FFC];
	_ =	sdelay $0x3  }
0x95: {  	_ =	strace s4  }
0x96: {  	s4 =	sld [smem:$0x3FFD];
	_ =	sdelay $0x3  }
0x97: {  	_ =	strace s4  }
0x98: {  	_ =	strace $0x8FFFFFFF  }
0x99: {  	s19 =	sld [smem:$0x3FDB];
	_ =	sdelay $0x1  }
0x9a: {  	s5 =	simm.s32 $_scs_section_size  }
0x9b: {  	s6 =	simm.s32 $_size__tile_overlayer_lowered;
	s7 =	simm.s32 $_tile_overlayer_lowered  }
0x9c: {  	s22 =	simm.s32 $0x1BFF;
	s21 =	sshll.u32 s7, $0x1;
	s4 =	sadd.s32 s5, s19  }
0x9d: {  	s8 =	simm.s32 $0x0;
	s20 =	sshll.u32 s6, $0x1;
	s6 =	sadd.s32 s21, s4  }
0x9e: {  	[timem:s8], [sflag:s22] =	dma.local [hbm:s6], s20  }
0x9f: {  	_ =	swait.ge [sflag:s22], s20  }
0xa0: {  	s5 =	ssub.s32 $0x0, s20;
	[sflag:s22] =	ssyncset.done $0x0  }
0xa1: {  	[sflag:s22] =	ssyncadd.s32 s5;
	_ =	sdelay $0x1  }
0xa2: {  	s23 =	simm.s32 $0x1B8B  }
0xa3: {  	_ =	swait.ge [sflag:s23], $0x1  }
0xa4: {  	[sflag:s23] =	ssyncset.done $0x0  }
0xa5: {  	s25 =	simm.s32 $0x1B8E;
	s24 =	sld [smem:$0x3FFE];
	[sflag:s23] =	ssyncadd.s32 $0xFFFFFFFF  }
0xa6: {  	s26 =	simm.s32 $execute0_lowered;
	[smem:$0x3FD2] =	sst s25  }
0xa7: {  	s6 =	sshll.u32 s26, $0x1;
	_ =	strace $0x80000046;
	[dreg:$0x1] =	wrdreg $0xFFFFFFFF  }
0xa8: {  	s28 =	simm.s32 $_size_execute0_lowered;
	s4 =	sadd.s32 s4, s6;
	[dreg:$0x0] =	wrdreg $0x0  }
0xa9: {  	s6 =	sshll.u32 s28, $0x1;
	[dreg:$0x2] =	wrdreg s4  }
0xaa: {  	[dreg:$0x3] =	wrdreg s6  }
0xab: {  	[dreg:$0x4] =	wrdreg $0xC0  }
0xac: {  	_ =	task [dreg:s8], $0x5FFFF  }
0xad: {  	[dreg:$0x1] =	wrdreg $0xFFFFFFFF  }
0xae: {  	[dreg:$0x0] =	wrdreg $0x60  }
0xaf: {  	[dreg:$0x2] =	wrdreg s24  }
0xb0: {  	[dreg:$0x3] =	wrdreg s2  }
0xb1: {  	[dreg:$0x4] =	wrdreg s18  }
0xb2: {  	[dreg:$0x5] =	wrdreg $0x9  }
0xb3: {  	_ =	task.clear_ibuf [dreg:s8], $0x6FFFF;
	_ =	strace $0x90000046  }
0xb4: {  	s29 =	simm.s32 $0x9;
	_ =	strace $0x80000048  }
0xb5: {  	_ =	swait.ge [sflag:s29], $0x1  }
0xb6: {  	[sflag:s29] =	ssyncadd.s32 $0xFFFFFFFF  }
0xb7: {  	_ =	strace $0x90000048  }
0xb8: {  	_ =	sfence  }
0xb9: {  	s30 =	sld [smem:$0x0];
	_ =	sdelay $0x2  }
0xba: {  	s31 =	sshll.u32 s1, $0xD;
	s1 =	sshrl.u32 s1, $0x2  }
0xbb: {  	s3 =	sand.u32 $0x4000, s31;
	s1 =	sadd.s32 s1, s30  }
0xbc: {  	s0 =	sor.u32 s3, s0;
	s1 =	sshll.u32 s1, $0x11  }
0xbd: {  	s0 =	sor.u32 s1, s0  }
0xbe: {  	s0 =	sadd.s32 $0x8F2B, s0  }
0xbf: {  	[sflag:s0] =	ssyncadd.remote.s32 $0x1  }
0xc0: {  	_ =	sfence.sel $0xFFFF  }
0xc1: {  	[dreg:$0x0] =	wrdreg $0xFFFFFFFF;
	(pc) =	sbr.abs _section_cstart, $3  }
0xc2: {  	[dreg:$0x1] =	wrdreg $0xFFFFFFFF  }
0xc3: {  	_ =	task.clear_ibuf [dreg:s8], $0x2FFFF;
	_ =	strace $0x9FFFFFFF  }
0xc4: {  	(tm) =	ssettm $0x7FFFFFFF  }
0xc5: {  	_ =	shalt  }
tec
execute0_lowered:
.L_overlay_start_1:
0x0: {  	(tag) =	ssettag $0x1  }
0x1: {  	s3 =	rddreg [dreg:$0x0]  }
0x2: {  	s4 =	rddreg [dreg:$0x1]  }
0x3: {  	s5 =	rddreg [dreg:$0x2];
	s2 =	srdreg.scid  }
0x4: {  	s0 =	rddreg [dreg:$0x3];
	s1 =	stileid.u32;
	s10 =	simm.s32 $0x0  }
0x5: {  	s6 =	sand.u32 $0x1, s2;
	s2 =	simm.s32 $0x0;
	s7 =	sshll.u32 s1, $0xA  }
0x6: {  	s3 =	sadd.s32 $0x400, s3;
	s8 =	sshll.u32 s6, $0x9;
	[smem:$0x7FF] =	sst s2  }
0x7: {  	s6 =	ssub.s32 $0x2, s6;
	s7 =	sor.u32 s8, s7;
	_ =	strace $0x80000047  }
0x8: {  	s31 =	sshrl.u32 s6, $0x1;
	s8 =	simm.s32 $0x1;
	s9 =	sshrl.u32 s7, $0x3  }
0x9: {  	s6 =	ssub.s32 s6, s31;
	s5 =	sadd.s32 s5, s7;
	s7 =	simm.s32 $0x1980  }
0xa: {  	s4 =	sadd.s32 s4, s9;
	s6 =	smax.u32 s6, $0x1;
	s9 =	simm.s32 $0x2  }
.LBB2_1:
0xb: {  	[tilespmem:s2], [sflag:$0x1] =	stream.linear.gather [hbm4b:s3+s2], $0x1980, $0x38;
	[tilespmem:$0x8B80] =	vst v63  }
0xc: {  	_ = 	snop  }
0xd: {  	[tilespmem:s7], [sflag:$0x1] =	stream.linear.gather [hbm4b:s4+s2], $0x200, $0x38;
	[tilespmem:$0x8B80] =	vst v63  }
0xe: {  	_ =	swait.ge [sflag:s8], $0x1980  }
0xf: {  	[sflag:s8] =	ssyncset.done $0x0  }
0x10: {  	[sflag:s8] =	ssyncadd.s32 $0xFFFFE680  }
0x11: {  	_ =	swait.ge [sflag:s8], $0x200  }
0x12: {  	[sflag:s8] =	ssyncset.done $0x0  }
0x13: {  	s11 =	simm.s32 $0x0;
	[sflag:s8] =	ssyncadd.s32 $0xFFFFFE00  }
.LBB2_2:
0x14: {  	s12 =	sshll.u32 s11, $0x7  }
0x15: {  	s13 =	sadd.s32 $0x1980, s12  }
0x16: {  	v0 =	vmov s13;
	_ =	sdelay $0x3  }
0x17: {  	s17 =	simm.s32 $0x0;
	p0 =	por $0x1, $0x1  }
.LBB2_3:
0x18: {  	v1 =	vld.idx.msk [tilespmem:v0+s17+$0x0 ss:$0x1], $0xffff;
	s14 =	sor.u32 $0x10, s17  }
0x19: {  	s15 =	sor.u32 $0x20, s17;
	v2 =	vld.idx.msk [tilespmem:v0+s14+$0x0 ss:$0x1], $0xffff  }
0x1a: {  	s16 =	sor.u32 $0x30, s17;
	v5 =	vld.idx.msk [tilespmem:v0+s15+$0x0 ss:$0x1], $0xffff  }
0x1b: {  	v6 =	vld.idx.msk [tilespmem:v0+s16+$0x0 ss:$0x1], $0xffff;
	_ =	sdelay $0x1  }
0x1c: {  	v4 =	vmul.u32 $0x41, v1  }
0x1d: {  	v3 =	vmul.u32 $0x41, v2  }
0x1e: {  	v2 =	vmul.u32 $0x41, v5  }
0x1f: {  	v1 =	vmul.u32 $0x41, v6;
	_ =	sdelay $0x2  }
0x20: {  	v63 =	vld.idx.msk [tilespmem:v4+s2+$0x0], $0xffff  }
0x21: {  	s13 =	sor.u32 s12, s17;
	v16 =	vadd.s32 $0x1, v4;
	v7 =	vld.idx.msk [tilespmem:v3+s2+$0x0], $0xffff  }
0x22: {  	s21 =	sshll.u32 s13, $0x3;
	s18 =	sor.u32 s12, s14;
	s19 =	sor.u32 s12, s15;
	v8 =	vadd.s32 $0x1, v3;
	v9 =	vld.idx.msk [tilespmem:v2+s2+$0x0], $0xffff  }
0x23: {  	s22 =	sor.u32 s12, s16;
	s13 =	sand.u32 $0xC00, s21;
	s18 =	sshll.u32 s18, $0x3;
	v10 =	vadd.s32 $0x1, v2;
	v11 =	vld.idx.msk [tilespmem:v1+s2+$0x0], $0xffff  }
0x24: {  	s19 =	sshll.u32 s19, $0x3;
	s13 =	sadd.s32 s17, s13;
	s20 =	sand.u32 $0xC00, s18;
	v12 =	vadd.s32 $0x1, v1  }
0x25: {  	s25 =	sshll.u32 s22, $0x3;
	s23 =	sand.u32 $0xC00, s19;
	s14 =	sadd.s32 s14, s20;
	[tilespmem:s13+$0x1B80] =	vst v63  }
0x26: {  	s22 =	sand.u32 $0xC00, s25;
	s15 =	sadd.s32 s15, s23;
	v5 =	vld.idx.msk [tilespmem:v16+s2+$0x0], $0xffff;
	[tilespmem:s14+$0x1B80] =	vst v7  }
0x27: {  	s16 =	sadd.s32 s16, s22;
	v17 =	vadd.s32 $0x2, v4;
	[tilespmem:s15+$0x1B80] =	vst v9;
	v7 =	vld.idx.msk [tilespmem:v8+s2+$0x0], $0xffff  }
0x28: {  	v18 =	vadd.s32 $0x2, v3;
	[tilespmem:s16+$0x1B80] =	vst v11;
	v9 =	vld.idx.msk [tilespmem:v10+s2+$0x0], $0xffff  }
0x29: {  	v19 =	vadd.s32 $0x2, v2;
	v11 =	vld.idx.msk [tilespmem:v12+s2+$0x0], $0xffff  }
0x2a: {  	v20 =	vadd.s32 $0x2, v1  }
0x2b: {  	[tilespmem:s13+$0x1C00] =	vst v5  }
0x2c: {  	v5 =	vld.idx.msk [tilespmem:v17+s2+$0x0], $0xffff;
	[tilespmem:s14+$0x1C00] =	vst v7  }
0x2d: {  	v21 =	vadd.s32 $0x3, v4;
	[tilespmem:s15+$0x1C00] =	vst v9;
	v7 =	vld.idx.msk [tilespmem:v18+s2+$0x0], $0xffff  }
0x2e: {  	v22 =	vadd.s32 $0x3, v3;
	[tilespmem:s16+$0x1C00] =	vst v11;
	v9 =	vld.idx.msk [tilespmem:v19+s2+$0x0], $0xffff  }
0x2f: {  	v23 =	vadd.s32 $0x3, v2;
	v11 =	vld.idx.msk [tilespmem:v20+s2+$0x0], $0xffff  }
0x30: {  	v24 =	vadd.s32 $0x3, v1  }
0x31: {  	[tilespmem:s13+$0x1C80] =	vst v5  }
0x32: {  	v5 =	vld.idx.msk [tilespmem:v21+s2+$0x0], $0xffff;
	[tilespmem:s14+$0x1C80] =	vst v7  }
0x33: {  	v25 =	vadd.s32 $0x4, v4;
	[tilespmem:s15+$0x1C80] =	vst v9;
	v7 =	vld.idx.msk [tilespmem:v22+s2+$0x0], $0xffff  }
0x34: {  	v26 =	vadd.s32 $0x4, v3;
	[tilespmem:s16+$0x1C80] =	vst v11;
	v9 =	vld.idx.msk [tilespmem:v23+s2+$0x0], $0xffff  }
0x35: {  	v27 =	vadd.s32 $0x4, v2;
	v11 =	vld.idx.msk [tilespmem:v24+s2+$0x0], $0xffff  }
0x36: {  	v28 =	vadd.s32 $0x4, v1  }
0x37: {  	[tilespmem:s13+$0x1D00] =	vst v5  }
0x38: {  	v5 =	vld.idx.msk [tilespmem:v25+s2+$0x0], $0xffff;
	[tilespmem:s14+$0x1D00] =	vst v7  }
0x39: {  	v29 =	vadd.s32 $0x5, v4;
	[tilespmem:s15+$0x1D00] =	vst v9;
	v7 =	vld.idx.msk [tilespmem:v26+s2+$0x0], $0xffff  }
0x3a: {  	v30 =	vadd.s32 $0x5, v3;
	[tilespmem:s16+$0x1D00] =	vst v11;
	v9 =	vld.idx.msk [tilespmem:v27+s2+$0x0], $0xffff  }
0x3b: {  	s21 =	sor.u32 s17, s21;
	v31 =	vadd.s32 $0x5, v2;
	v11 =	vld.idx.msk [tilespmem:v28+s2+$0x0], $0xffff  }
0x3c: {  	s26 =	sor.u32 $0x200, s21;
	v32 =	vadd.s32 $0x5, v1  }
0x3d: {  	[tilespmem:s26+$0x1B80] =	vst v5  }
0x3e: {  	v5 =	vld.idx.msk [tilespmem:v29+s2+$0x0], $0xffff;
	[tilespmem:s14+$0x1D80] =	vst v7  }
0x3f: {  	v33 =	vadd.s32 $0x6, v4;
	[tilespmem:s15+$0x1D80] =	vst v9;
	v7 =	vld.idx.msk [tilespmem:v30+s2+$0x0], $0xffff  }
0x40: {  	v34 =	vadd.s32 $0x6, v3;
	[tilespmem:s16+$0x1D80] =	vst v11;
	v9 =	vld.idx.msk [tilespmem:v31+s2+$0x0], $0xffff  }
0x41: {  	v35 =	vadd.s32 $0x6, v2;
	v11 =	vld.idx.msk [tilespmem:v32+s2+$0x0], $0xffff  }
0x42: {  	s28 =	sor.u32 $0x280, s21;
	v36 =	vadd.s32 $0x6, v1  }
0x43: {  	[tilespmem:s28+$0x1B80] =	vst v5  }
0x44: {  	v5 =	vld.idx.msk [tilespmem:v33+s2+$0x0], $0xffff;
	[tilespmem:s14+$0x1E00] =	vst v7  }
0x45: {  	v37 =	vadd.s32 $0x7, v4;
	[tilespmem:s15+$0x1E00] =	vst v9;
	v7 =	vld.idx.msk [tilespmem:v34+s2+$0x0], $0xffff  }
0x46: {  	v38 =	vadd.s32 $0x7, v3;
	[tilespmem:s16+$0x1E00] =	vst v11;
	v9 =	vld.idx.msk [tilespmem:v35+s2+$0x0], $0xffff  }
0x47: {  	v39 =	vadd.s32 $0x7, v2;
	v11 =	vld.idx.msk [tilespmem:v36+s2+$0x0], $0xffff  }
0x48: {  	s29 =	sor.u32 $0x300, s21;
	v40 =	vadd.s32 $0x7, v1  }
0x49: {  	[tilespmem:s29+$0x1B80] =	vst v5  }
0x4a: {  	v5 =	vld.idx.msk [tilespmem:v37+s2+$0x0], $0xffff;
	[tilespmem:s14+$0x1E80] =	vst v7  }
0x4b: {  	v41 =	vadd.s32 $0x8, v4;
	[tilespmem:s15+$0x1E80] =	vst v9;
	v7 =	vld.idx.msk [tilespmem:v38+s2+$0x0], $0xffff  }
0x4c: {  	v42 =	vadd.s32 $0x8, v3;
	[tilespmem:s16+$0x1E80] =	vst v11;
	v9 =	vld.idx.msk [tilespmem:v39+s2+$0x0], $0xffff  }
0x4d: {  	v43 =	vadd.s32 $0x8, v2;
	v11 =	vld.idx.msk [tilespmem:v40+s2+$0x0], $0xffff  }
0x4e: {  	s21 =	sor.u32 $0x380, s21;
	s18 =	sor.u32 s18, s17;
	v44 =	vadd.s32 $0x8, v1  }
0x4f: {  	s19 =	sor.u32 s19, s17;
	s18 =	sor.u32 $0x310, s18;
	[tilespmem:s21+$0x1B80] =	vst v5  }
0x50: {  	s30 =	sor.u32 s25, s17;
	s31 =	sor.u32 $0x2A0, s19;
	[tilespmem:s18+$0x1B80] =	vst v7;
	v5 =	vld.idx.msk [tilespmem:v41+s2+$0x0], $0xffff  }
0x51: {  	s17 =	sor.u32 $0x230, s30;
	v45 =	vadd.s32 $0x9, v4;
	[tilespmem:s31+$0x1B80] =	vst v9;
	v7 =	vld.idx.msk [tilespmem:v42+s2+$0x0], $0xffff  }
0x52: {  	v46 =	vadd.s32 $0x9, v3;
	[tilespmem:s17+$0x1B80] =	vst v11;
	v9 =	vld.idx.msk [tilespmem:v43+s2+$0x0], $0xffff  }
0x53: {  	v47 =	vadd.s32 $0x9, v2;
	v11 =	vld.idx.msk [tilespmem:v44+s2+$0x0], $0xffff  }
0x54: {  	v48 =	vadd.s32 $0x9, v1  }
0x55: {  	[tilespmem:s13+$0x2B80] =	vst v5  }
0x56: {  	v5 =	vld.idx.msk [tilespmem:v45+s2+$0x0], $0xffff;
	[tilespmem:s14+$0x2B80] =	vst v7  }
0x57: {  	v49 =	vadd.s32 $0xA, v4;
	[tilespmem:s15+$0x2B80] =	vst v9;
	v7 =	vld.idx.msk [tilespmem:v46+s2+$0x0], $0xffff  }
0x58: {  	v50 =	vadd.s32 $0xA, v3;
	[tilespmem:s16+$0x2B80] =	vst v11;
	v9 =	vld.idx.msk [tilespmem:v47+s2+$0x0], $0xffff  }
0x59: {  	v51 =	vadd.s32 $0xA, v2;
	v11 =	vld.idx.msk [tilespmem:v48+s2+$0x0], $0xffff  }
0x5a: {  	v52 =	vadd.s32 $0xA, v1  }
0x5b: {  	[tilespmem:s13+$0x2C00] =	vst v5  }
0x5c: {  	v5 =	vld.idx.msk [tilespmem:v49+s2+$0x0], $0xffff;
	[tilespmem:s14+$0x2C00] =	vst v7  }
0x5d: {  	v53 =	vadd.s32 $0xB, v4;
	[tilespmem:s15+$0x2C00] =	vst v9;
	v7 =	vld.idx.msk [tilespmem:v50+s2+$0x0], $0xffff  }
0x5e: {  	v54 =	vadd.s32 $0xB, v3;
	[tilespmem:s16+$0x2C00] =	vst v11;
	v9 =	vld.idx.msk [tilespmem:v51+s2+$0x0], $0xffff  }
0x5f: {  	v55 =	vadd.s32 $0xB, v2;
	v11 =	vld.idx.msk [tilespmem:v52+s2+$0x0], $0xffff  }
0x60: {  	v56 =	vadd.s32 $0xB, v1  }
0x61: {  	[tilespmem:s13+$0x2C80] =	vst v5  }
0x62: {  	v5 =	vld.idx.msk [tilespmem:v53+s2+$0x0], $0xffff;
	[tilespmem:s14+$0x2C80] =	vst v7  }
0x63: {  	v57 =	vadd.s32 $0xC, v4;
	[tilespmem:s15+$0x2C80] =	vst v9;
	v7 =	vld.idx.msk [tilespmem:v54+s2+$0x0], $0xffff  }
0x64: {  	v58 =	vadd.s32 $0xC, v3;
	[tilespmem:s16+$0x2C80] =	vst v11;
	v9 =	vld.idx.msk [tilespmem:v55+s2+$0x0], $0xffff  }
0x65: {  	v59 =	vadd.s32 $0xC, v2;
	v11 =	vld.idx.msk [tilespmem:v56+s2+$0x0], $0xffff  }
0x66: {  	v60 =	vadd.s32 $0xC, v1  }
0x67: {  	[tilespmem:s13+$0x2D00] =	vst v5  }
0x68: {  	v5 =	vld.idx.msk [tilespmem:v57+s2+$0x0], $0xffff;
	[tilespmem:s14+$0x2D00] =	vst v7  }
0x69: {  	v61 =	vadd.s32 $0xD, v4;
	[tilespmem:s15+$0x2D00] =	vst v9;
	v7 =	vld.idx.msk [tilespmem:v58+s2+$0x0], $0xffff  }
0x6a: {  	v62 =	vadd.s32 $0xD, v3;
	[tilespmem:s16+$0x2D00] =	vst v11;
	v9 =	vld.idx.msk [tilespmem:v59+s2+$0x0], $0xffff  }
0x6b: {  	v63 =	vadd.s32 $0xD, v2;
	v11 =	vld.idx.msk [tilespmem:v60+s2+$0x0], $0xffff  }
0x6c: {  	v16 =	vadd.s32 $0xD, v1  }
0x6d: {  	[tilespmem:s13+$0x2D80] =	vst v5  }
0x6e: {  	v5 =	vld.idx.msk [tilespmem:v61+s2+$0x0], $0xffff;
	[tilespmem:s14+$0x2D80] =	vst v7  }
0x6f: {  	v17 =	vadd.s32 $0xE, v4;
	[tilespmem:s15+$0x2D80] =	vst v9;
	v7 =	vld.idx.msk [tilespmem:v62+s2+$0x0], $0xffff  }
0x70: {  	v18 =	vadd.s32 $0xE, v3;
	[tilespmem:s16+$0x2D80] =	vst v11;
	v9 =	vld.idx.msk [tilespmem:v63+s2+$0x0], $0xffff  }
0x71: {  	v19 =	vadd.s32 $0xE, v2;
	v11 =	vld.idx.msk [tilespmem:v16+s2+$0x0], $0xffff  }
0x72: {  	v20 =	vadd.s32 $0xE, v1  }
0x73: {  	[tilespmem:s13+$0x2E00] =	vst v5  }
0x74: {  	v5 =	vld.idx.msk [tilespmem:v17+s2+$0x0], $0xffff;
	[tilespmem:s14+$0x2E00] =	vst v7  }
0x75: {  	v21 =	vadd.s32 $0xF, v4;
	[tilespmem:s15+$0x2E00] =	vst v9;
	v7 =	vld.idx.msk [tilespmem:v18+s2+$0x0], $0xffff  }
0x76: {  	v22 =	vadd.s32 $0xF, v3;
	[tilespmem:s16+$0x2E00] =	vst v11;
	v9 =	vld.idx.msk [tilespmem:v19+s2+$0x0], $0xffff  }
0x77: {  	v23 =	vadd.s32 $0xF, v2;
	v11 =	vld.idx.msk [tilespmem:v20+s2+$0x0], $0xffff  }
0x78: {  	v24 =	vadd.s32 $0xF, v1  }
0x79: {  	[tilespmem:s13+$0x2E80] =	vst v5  }
0x7a: {  	v5 =	vld.idx.msk [tilespmem:v21+s2+$0x0], $0xffff;
	[tilespmem:s14+$0x2E80] =	vst v7  }
0x7b: {  	v25 =	vadd.s32 $0x10, v4;
	[tilespmem:s15+$0x2E80] =	vst v9;
	v7 =	vld.idx.msk [tilespmem:v22+s2+$0x0], $0xffff  }
0x7c: {  	v26 =	vadd.s32 $0x10, v3;
	[tilespmem:s16+$0x2E80] =	vst v11;
	v9 =	vld.idx.msk [tilespmem:v23+s2+$0x0], $0xffff  }
0x7d: {  	v27 =	vadd.s32 $0x10, v2;
	v11 =	vld.idx.msk [tilespmem:v24+s2+$0x0], $0xffff  }
0x7e: {  	v28 =	vadd.s32 $0x10, v1  }
0x7f: {  	[tilespmem:s13+$0x2F00] =	vst v5  }
0x80: {  	v5 =	vld.idx.msk [tilespmem:v25+s2+$0x0], $0xffff;
	[tilespmem:s14+$0x2F00] =	vst v7  }
0x81: {  	v29 =	vadd.s32 $0x11, v4;
	[tilespmem:s15+$0x2F00] =	vst v9;
	v7 =	vld.idx.msk [tilespmem:v26+s2+$0x0], $0xffff  }
0x82: {  	v30 =	vadd.s32 $0x11, v3;
	[tilespmem:s16+$0x2F00] =	vst v11;
	v9 =	vld.idx.msk [tilespmem:v27+s2+$0x0], $0xffff  }
0x83: {  	v31 =	vadd.s32 $0x11, v2;
	v11 =	vld.idx.msk [tilespmem:v28+s2+$0x0], $0xffff  }
0x84: {  	v32 =	vadd.s32 $0x11, v1  }
0x85: {  	[tilespmem:s13+$0x3B80] =	vst v5  }
0x86: {  	v5 =	vld.idx.msk [tilespmem:v29+s2+$0x0], $0xffff;
	[tilespmem:s14+$0x3B80] =	vst v7  }
0x87: {  	v33 =	vadd.s32 $0x12, v4;
	[tilespmem:s15+$0x3B80] =	vst v9;
	v7 =	vld.idx.msk [tilespmem:v30+s2+$0x0], $0xffff  }
0x88: {  	v34 =	vadd.s32 $0x12, v3;
	[tilespmem:s16+$0x3B80] =	vst v11;
	v9 =	vld.idx.msk [tilespmem:v31+s2+$0x0], $0xffff  }
0x89: {  	v35 =	vadd.s32 $0x12, v2;
	v11 =	vld.idx.msk [tilespmem:v32+s2+$0x0], $0xffff  }
0x8a: {  	v36 =	vadd.s32 $0x12, v1  }
0x8b: {  	[tilespmem:s13+$0x3C00] =	vst v5  }
0x8c: {  	v5 =	vld.idx.msk [tilespmem:v33+s2+$0x0], $0xffff;
	[tilespmem:s14+$0x3C00] =	vst v7  }
0x8d: {  	v37 =	vadd.s32 $0x13, v4;
	[tilespmem:s15+$0x3C00] =	vst v9;
	v7 =	vld.idx.msk [tilespmem:v34+s2+$0x0], $0xffff  }
0x8e: {  	v38 =	vadd.s32 $0x13, v3;
	[tilespmem:s16+$0x3C00] =	vst v11;
	v9 =	vld.idx.msk [tilespmem:v35+s2+$0x0], $0xffff  }
0x8f: {  	v39 =	vadd.s32 $0x13, v2;
	v11 =	vld.idx.msk [tilespmem:v36+s2+$0x0], $0xffff  }
0x90: {  	v40 =	vadd.s32 $0x13, v1  }
0x91: {  	[tilespmem:s13+$0x3C80] =	vst v5  }
0x92: {  	v5 =	vld.idx.msk [tilespmem:v37+s2+$0x0], $0xffff;
	[tilespmem:s14+$0x3C80] =	vst v7  }
0x93: {  	v41 =	vadd.s32 $0x14, v4;
	[tilespmem:s15+$0x3C80] =	vst v9;
	v7 =	vld.idx.msk [tilespmem:v38+s2+$0x0], $0xffff  }
0x94: {  	v42 =	vadd.s32 $0x14, v3;
	[tilespmem:s16+$0x3C80] =	vst v11;
	v9 =	vld.idx.msk [tilespmem:v39+s2+$0x0], $0xffff  }
0x95: {  	v43 =	vadd.s32 $0x14, v2;
	v11 =	vld.idx.msk [tilespmem:v40+s2+$0x0], $0xffff  }
0x96: {  	v44 =	vadd.s32 $0x14, v1  }
0x97: {  	[tilespmem:s13+$0x3D00] =	vst v5  }
0x98: {  	v5 =	vld.idx.msk [tilespmem:v41+s2+$0x0], $0xffff;
	[tilespmem:s14+$0x3D00] =	vst v7  }
0x99: {  	v45 =	vadd.s32 $0x15, v4;
	[tilespmem:s15+$0x3D00] =	vst v9;
	v7 =	vld.idx.msk [tilespmem:v42+s2+$0x0], $0xffff  }
0x9a: {  	v46 =	vadd.s32 $0x15, v3;
	[tilespmem:s16+$0x3D00] =	vst v11;
	v9 =	vld.idx.msk [tilespmem:v43+s2+$0x0], $0xffff  }
0x9b: {  	v47 =	vadd.s32 $0x15, v2;
	v11 =	vld.idx.msk [tilespmem:v44+s2+$0x0], $0xffff  }
0x9c: {  	v48 =	vadd.s32 $0x15, v1  }
0x9d: {  	[tilespmem:s13+$0x3D80] =	vst v5  }
0x9e: {  	v5 =	vld.idx.msk [tilespmem:v45+s2+$0x0], $0xffff;
	[tilespmem:s14+$0x3D80] =	vst v7  }
0x9f: {  	v49 =	vadd.s32 $0x16, v4;
	[tilespmem:s15+$0x3D80] =	vst v9;
	v7 =	vld.idx.msk [tilespmem:v46+s2+$0x0], $0xffff  }
0xa0: {  	v50 =	vadd.s32 $0x16, v3;
	[tilespmem:s16+$0x3D80] =	vst v11;
	v9 =	vld.idx.msk [tilespmem:v47+s2+$0x0], $0xffff  }
0xa1: {  	v51 =	vadd.s32 $0x16, v2;
	v11 =	vld.idx.msk [tilespmem:v48+s2+$0x0], $0xffff  }
0xa2: {  	v52 =	vadd.s32 $0x16, v1  }
0xa3: {  	[tilespmem:s13+$0x3E00] =	vst v5  }
0xa4: {  	v5 =	vld.idx.msk [tilespmem:v49+s2+$0x0], $0xffff;
	[tilespmem:s14+$0x3E00] =	vst v7  }
0xa5: {  	v53 =	vadd.s32 $0x17, v4;
	[tilespmem:s15+$0x3E00] =	vst v9;
	v7 =	vld.idx.msk [tilespmem:v50+s2+$0x0], $0xffff  }
0xa6: {  	v54 =	vadd.s32 $0x17, v3;
	[tilespmem:s16+$0x3E00] =	vst v11;
	v9 =	vld.idx.msk [tilespmem:v51+s2+$0x0], $0xffff  }
0xa7: {  	v55 =	vadd.s32 $0x17, v2;
	v11 =	vld.idx.msk [tilespmem:v52+s2+$0x0], $0xffff  }
0xa8: {  	v56 =	vadd.s32 $0x17, v1  }
0xa9: {  	[tilespmem:s13+$0x3E80] =	vst v5  }
0xaa: {  	v5 =	vld.idx.msk [tilespmem:v53+s2+$0x0], $0xffff;
	[tilespmem:s14+$0x3E80] =	vst v7  }
0xab: {  	v57 =	vadd.s32 $0x18, v4;
	[tilespmem:s15+$0x3E80] =	vst v9;
	v7 =	vld.idx.msk [tilespmem:v54+s2+$0x0], $0xffff  }
0xac: {  	v58 =	vadd.s32 $0x18, v3;
	[tilespmem:s16+$0x3E80] =	vst v11;
	v9 =	vld.idx.msk [tilespmem:v55+s2+$0x0], $0xffff  }
0xad: {  	v59 =	vadd.s32 $0x18, v2;
	v11 =	vld.idx.msk [tilespmem:v56+s2+$0x0], $0xffff  }
0xae: {  	v60 =	vadd.s32 $0x18, v1  }
0xaf: {  	[tilespmem:s13+$0x3F00] =	vst v5  }
0xb0: {  	v5 =	vld.idx.msk [tilespmem:v57+s2+$0x0], $0xffff;
	[tilespmem:s14+$0x3F00] =	vst v7  }
0xb1: {  	v61 =	vadd.s32 $0x19, v4;
	[tilespmem:s15+$0x3F00] =	vst v9;
	v7 =	vld.idx.msk [tilespmem:v58+s2+$0x0], $0xffff  }
0xb2: {  	v62 =	vadd.s32 $0x19, v3;
	[tilespmem:s16+$0x3F00] =	vst v11;
	v9 =	vld.idx.msk [tilespmem:v59+s2+$0x0], $0xffff  }
0xb3: {  	v63 =	vadd.s32 $0x19, v2;
	v11 =	vld.idx.msk [tilespmem:v60+s2+$0x0], $0xffff  }
0xb4: {  	v16 =	vadd.s32 $0x19, v1  }
0xb5: {  	[tilespmem:s13+$0x4B80] =	vst v5  }
0xb6: {  	v5 =	vld.idx.msk [tilespmem:v61+s2+$0x0], $0xffff;
	[tilespmem:s14+$0x4B80] =	vst v7  }
0xb7: {  	v17 =	vadd.s32 $0x1A, v4;
	[tilespmem:s15+$0x4B80] =	vst v9;
	v7 =	vld.idx.msk [tilespmem:v62+s2+$0x0], $0xffff  }
0xb8: {  	v18 =	vadd.s32 $0x1A, v3;
	[tilespmem:s16+$0x4B80] =	vst v11;
	v9 =	vld.idx.msk [tilespmem:v63+s2+$0x0], $0xffff  }
0xb9: {  	v19 =	vadd.s32 $0x1A, v2;
	v11 =	vld.idx.msk [tilespmem:v16+s2+$0x0], $0xffff  }
0xba: {  	v20 =	vadd.s32 $0x1A, v1  }
0xbb: {  	[tilespmem:s13+$0x4C00] =	vst v5  }
0xbc: {  	v5 =	vld.idx.msk [tilespmem:v17+s2+$0x0], $0xffff;
	[tilespmem:s14+$0x4C00] =	vst v7  }
0xbd: {  	v21 =	vadd.s32 $0x1B, v4;
	[tilespmem:s15+$0x4C00] =	vst v9;
	v7 =	vld.idx.msk [tilespmem:v18+s2+$0x0], $0xffff  }
0xbe: {  	v22 =	vadd.s32 $0x1B, v3;
	[tilespmem:s16+$0x4C00] =	vst v11;
	v9 =	vld.idx.msk [tilespmem:v19+s2+$0x0], $0xffff  }
0xbf: {  	v23 =	vadd.s32 $0x1B, v2;
	v11 =	vld.idx.msk [tilespmem:v20+s2+$0x0], $0xffff  }
0xc0: {  	v24 =	vadd.s32 $0x1B, v1  }
0xc1: {  	[tilespmem:s13+$0x4C80] =	vst v5  }
0xc2: {  	v5 =	vld.idx.msk [tilespmem:v21+s2+$0x0], $0xffff;
	[tilespmem:s14+$0x4C80] =	vst v7  }
0xc3: {  	v25 =	vadd.s32 $0x1C, v4;
	[tilespmem:s15+$0x4C80] =	vst v9;
	v7 =	vld.idx.msk [tilespmem:v22+s2+$0x0], $0xffff  }
0xc4: {  	v26 =	vadd.s32 $0x1C, v3;
	[tilespmem:s16+$0x4C80] =	vst v11;
	v9 =	vld.idx.msk [tilespmem:v23+s2+$0x0], $0xffff  }
0xc5: {  	v27 =	vadd.s32 $0x1C, v2;
	v11 =	vld.idx.msk [tilespmem:v24+s2+$0x0], $0xffff  }
0xc6: {  	v28 =	vadd.s32 $0x1C, v1  }
0xc7: {  	[tilespmem:s13+$0x4D00] =	vst v5  }
0xc8: {  	v5 =	vld.idx.msk [tilespmem:v25+s2+$0x0], $0xffff;
	[tilespmem:s14+$0x4D00] =	vst v7  }
0xc9: {  	v29 =	vadd.s32 $0x1D, v4;
	[tilespmem:s15+$0x4D00] =	vst v9;
	v7 =	vld.idx.msk [tilespmem:v26+s2+$0x0], $0xffff  }
0xca: {  	v30 =	vadd.s32 $0x1D, v3;
	[tilespmem:s16+$0x4D00] =	vst v11;
	v9 =	vld.idx.msk [tilespmem:v27+s2+$0x0], $0xffff  }
0xcb: {  	v31 =	vadd.s32 $0x1D, v2;
	v11 =	vld.idx.msk [tilespmem:v28+s2+$0x0], $0xffff  }
0xcc: {  	v32 =	vadd.s32 $0x1D, v1  }
0xcd: {  	[tilespmem:s13+$0x4D80] =	vst v5  }
0xce: {  	v5 =	vld.idx.msk [tilespmem:v29+s2+$0x0], $0xffff;
	[tilespmem:s14+$0x4D80] =	vst v7  }
0xcf: {  	v33 =	vadd.s32 $0x1E, v4;
	[tilespmem:s15+$0x4D80] =	vst v9;
	v7 =	vld.idx.msk [tilespmem:v30+s2+$0x0], $0xffff  }
0xd0: {  	v34 =	vadd.s32 $0x1E, v3;
	[tilespmem:s16+$0x4D80] =	vst v11;
	v9 =	vld.idx.msk [tilespmem:v31+s2+$0x0], $0xffff  }
0xd1: {  	v35 =	vadd.s32 $0x1E, v2;
	v11 =	vld.idx.msk [tilespmem:v32+s2+$0x0], $0xffff  }
0xd2: {  	v36 =	vadd.s32 $0x1E, v1  }
0xd3: {  	[tilespmem:s13+$0x4E00] =	vst v5  }
0xd4: {  	v5 =	vld.idx.msk [tilespmem:v33+s2+$0x0], $0xffff;
	[tilespmem:s14+$0x4E00] =	vst v7  }
0xd5: {  	v37 =	vadd.s32 $0x1F, v4;
	[tilespmem:s15+$0x4E00] =	vst v9;
	v7 =	vld.idx.msk [tilespmem:v34+s2+$0x0], $0xffff  }
0xd6: {  	v38 =	vadd.s32 $0x1F, v3;
	[tilespmem:s16+$0x4E00] =	vst v11;
	v9 =	vld.idx.msk [tilespmem:v35+s2+$0x0], $0xffff  }
0xd7: {  	v39 =	vadd.s32 $0x1F, v2;
	v11 =	vld.idx.msk [tilespmem:v36+s2+$0x0], $0xffff  }
0xd8: {  	v40 =	vadd.s32 $0x1F, v1  }
0xd9: {  	[tilespmem:s13+$0x4E80] =	vst v5  }
0xda: {  	v5 =	vld.idx.msk [tilespmem:v37+s2+$0x0], $0xffff;
	[tilespmem:s14+$0x4E80] =	vst v7  }
0xdb: {  	v41 =	vadd.s32 $0x20, v4;
	[tilespmem:s15+$0x4E80] =	vst v9;
	v7 =	vld.idx.msk [tilespmem:v38+s2+$0x0], $0xffff  }
0xdc: {  	v42 =	vadd.s32 $0x20, v3;
	[tilespmem:s16+$0x4E80] =	vst v11;
	v9 =	vld.idx.msk [tilespmem:v39+s2+$0x0], $0xffff  }
0xdd: {  	v43 =	vadd.s32 $0x20, v2;
	v11 =	vld.idx.msk [tilespmem:v40+s2+$0x0], $0xffff  }
0xde: {  	v44 =	vadd.s32 $0x20, v1  }
0xdf: {  	[tilespmem:s13+$0x4F00] =	vst v5  }
0xe0: {  	v5 =	vld.idx.msk [tilespmem:v41+s2+$0x0], $0xffff;
	[tilespmem:s14+$0x4F00] =	vst v7  }
0xe1: {  	v45 =	vadd.s32 $0x21, v4;
	[tilespmem:s15+$0x4F00] =	vst v9;
	v7 =	vld.idx.msk [tilespmem:v42+s2+$0x0], $0xffff  }
0xe2: {  	v46 =	vadd.s32 $0x21, v3;
	[tilespmem:s16+$0x4F00] =	vst v11;
	v9 =	vld.idx.msk [tilespmem:v43+s2+$0x0], $0xffff  }
0xe3: {  	v47 =	vadd.s32 $0x21, v2;
	v11 =	vld.idx.msk [tilespmem:v44+s2+$0x0], $0xffff  }
0xe4: {  	v48 =	vadd.s32 $0x21, v1  }
0xe5: {  	[tilespmem:s13+$0x5B80] =	vst v5  }
0xe6: {  	v5 =	vld.idx.msk [tilespmem:v45+s2+$0x0], $0xffff;
	[tilespmem:s14+$0x5B80] =	vst v7  }
0xe7: {  	v49 =	vadd.s32 $0x22, v4;
	[tilespmem:s15+$0x5B80] =	vst v9;
	v7 =	vld.idx.msk [tilespmem:v46+s2+$0x0], $0xffff  }
0xe8: {  	v50 =	vadd.s32 $0x22, v3;
	[tilespmem:s16+$0x5B80] =	vst v11;
	v9 =	vld.idx.msk [tilespmem:v47+s2+$0x0], $0xffff  }
0xe9: {  	v51 =	vadd.s32 $0x22, v2;
	v11 =	vld.idx.msk [tilespmem:v48+s2+$0x0], $0xffff  }
0xea: {  	v52 =	vadd.s32 $0x22, v1  }
0xeb: {  	[tilespmem:s13+$0x5C00] =	vst v5  }
0xec: {  	v5 =	vld.idx.msk [tilespmem:v49+s2+$0x0], $0xffff;
	[tilespmem:s14+$0x5C00] =	vst v7  }
0xed: {  	v53 =	vadd.s32 $0x23, v4;
	[tilespmem:s15+$0x5C00] =	vst v9;
	v7 =	vld.idx.msk [tilespmem:v50+s2+$0x0], $0xffff  }
0xee: {  	v54 =	vadd.s32 $0x23, v3;
	[tilespmem:s16+$0x5C00] =	vst v11;
	v9 =	vld.idx.msk [tilespmem:v51+s2+$0x0], $0xffff  }
0xef: {  	v55 =	vadd.s32 $0x23, v2;
	v11 =	vld.idx.msk [tilespmem:v52+s2+$0x0], $0xffff  }
0xf0: {  	v56 =	vadd.s32 $0x23, v1  }
0xf1: {  	[tilespmem:s13+$0x5C80] =	vst v5  }
0xf2: {  	v5 =	vld.idx.msk [tilespmem:v53+s2+$0x0], $0xffff;
	[tilespmem:s14+$0x5C80] =	vst v7  }
0xf3: {  	v57 =	vadd.s32 $0x24, v4;
	[tilespmem:s15+$0x5C80] =	vst v9;
	v7 =	vld.idx.msk [tilespmem:v54+s2+$0x0], $0xffff  }
0xf4: {  	v58 =	vadd.s32 $0x24, v3;
	[tilespmem:s16+$0x5C80] =	vst v11;
	v9 =	vld.idx.msk [tilespmem:v55+s2+$0x0], $0xffff  }
0xf5: {  	v59 =	vadd.s32 $0x24, v2;
	v11 =	vld.idx.msk [tilespmem:v56+s2+$0x0], $0xffff  }
0xf6: {  	v60 =	vadd.s32 $0x24, v1  }
0xf7: {  	[tilespmem:s13+$0x5D00] =	vst v5  }
0xf8: {  	v5 =	vld.idx.msk [tilespmem:v57+s2+$0x0], $0xffff;
	[tilespmem:s14+$0x5D00] =	vst v7  }
0xf9: {  	v61 =	vadd.s32 $0x25, v4;
	[tilespmem:s15+$0x5D00] =	vst v9;
	v7 =	vld.idx.msk [tilespmem:v58+s2+$0x0], $0xffff  }
0xfa: {  	v62 =	vadd.s32 $0x25, v3;
	[tilespmem:s16+$0x5D00] =	vst v11;
	v9 =	vld.idx.msk [tilespmem:v59+s2+$0x0], $0xffff  }
0xfb: {  	v63 =	vadd.s32 $0x25, v2;
	v11 =	vld.idx.msk [tilespmem:v60+s2+$0x0], $0xffff  }
0xfc: {  	v16 =	vadd.s32 $0x25, v1  }
0xfd: {  	[tilespmem:s13+$0x5D80] =	vst v5  }
0xfe: {  	v5 =	vld.idx.msk [tilespmem:v61+s2+$0x0], $0xffff;
	[tilespmem:s14+$0x5D80] =	vst v7  }
0xff: {  	v17 =	vadd.s32 $0x26, v4;
	[tilespmem:s15+$0x5D80] =	vst v9;
	v7 =	vld.idx.msk [tilespmem:v62+s2+$0x0], $0xffff  }
0x100: {  	v18 =	vadd.s32 $0x26, v3;
	[tilespmem:s16+$0x5D80] =	vst v11;
	v9 =	vld.idx.msk [tilespmem:v63+s2+$0x0], $0xffff  }
0x101: {  	v19 =	vadd.s32 $0x26, v2;
	v11 =	vld.idx.msk [tilespmem:v16+s2+$0x0], $0xffff  }
0x102: {  	v20 =	vadd.s32 $0x26, v1  }
0x103: {  	[tilespmem:s13+$0x5E00] =	vst v5  }
0x104: {  	v5 =	vld.idx.msk [tilespmem:v17+s2+$0x0], $0xffff;
	[tilespmem:s14+$0x5E00] =	vst v7  }
0x105: {  	v21 =	vadd.s32 $0x27, v4;
	[tilespmem:s15+$0x5E00] =	vst v9;
	v7 =	vld.idx.msk [tilespmem:v18+s2+$0x0], $0xffff  }
0x106: {  	v22 =	vadd.s32 $0x27, v3;
	[tilespmem:s16+$0x5E00] =	vst v11;
	v9 =	vld.idx.msk [tilespmem:v19+s2+$0x0], $0xffff  }
0x107: {  	v23 =	vadd.s32 $0x27, v2;
	v11 =	vld.idx.msk [tilespmem:v20+s2+$0x0], $0xffff  }
0x108: {  	v24 =	vadd.s32 $0x27, v1  }
0x109: {  	[tilespmem:s13+$0x5E80] =	vst v5  }
0x10a: {  	v5 =	vld.idx.msk [tilespmem:v21+s2+$0x0], $0xffff;
	[tilespmem:s14+$0x5E80] =	vst v7  }
0x10b: {  	v25 =	vadd.s32 $0x28, v4;
	[tilespmem:s15+$0x5E80] =	vst v9;
	v7 =	vld.idx.msk [tilespmem:v22+s2+$0x0], $0xffff  }
0x10c: {  	v26 =	vadd.s32 $0x28, v3;
	[tilespmem:s16+$0x5E80] =	vst v11;
	v9 =	vld.idx.msk [tilespmem:v23+s2+$0x0], $0xffff  }
0x10d: {  	v27 =	vadd.s32 $0x28, v2;
	v11 =	vld.idx.msk [tilespmem:v24+s2+$0x0], $0xffff  }
0x10e: {  	v28 =	vadd.s32 $0x28, v1  }
0x10f: {  	[tilespmem:s13+$0x5F00] =	vst v5  }
0x110: {  	v5 =	vld.idx.msk [tilespmem:v25+s2+$0x0], $0xffff;
	[tilespmem:s14+$0x5F00] =	vst v7  }
0x111: {  	v29 =	vadd.s32 $0x29, v4;
	[tilespmem:s15+$0x5F00] =	vst v9;
	v7 =	vld.idx.msk [tilespmem:v26+s2+$0x0], $0xffff  }
0x112: {  	v30 =	vadd.s32 $0x29, v3;
	[tilespmem:s16+$0x5F00] =	vst v11;
	v9 =	vld.idx.msk [tilespmem:v27+s2+$0x0], $0xffff  }
0x113: {  	v31 =	vadd.s32 $0x29, v2;
	v11 =	vld.idx.msk [tilespmem:v28+s2+$0x0], $0xffff  }
0x114: {  	v32 =	vadd.s32 $0x29, v1  }
0x115: {  	[tilespmem:s13+$0x6B80] =	vst v5  }
0x116: {  	v5 =	vld.idx.msk [tilespmem:v29+s2+$0x0], $0xffff;
	[tilespmem:s14+$0x6B80] =	vst v7  }
0x117: {  	v33 =	vadd.s32 $0x2A, v4;
	[tilespmem:s15+$0x6B80] =	vst v9;
	v7 =	vld.idx.msk [tilespmem:v30+s2+$0x0], $0xffff  }
0x118: {  	v34 =	vadd.s32 $0x2A, v3;
	[tilespmem:s16+$0x6B80] =	vst v11;
	v9 =	vld.idx.msk [tilespmem:v31+s2+$0x0], $0xffff  }
0x119: {  	v35 =	vadd.s32 $0x2A, v2;
	v11 =	vld.idx.msk [tilespmem:v32+s2+$0x0], $0xffff  }
0x11a: {  	v36 =	vadd.s32 $0x2A, v1  }
0x11b: {  	[tilespmem:s13+$0x6C00] =	vst v5  }
0x11c: {  	v5 =	vld.idx.msk [tilespmem:v33+s2+$0x0], $0xffff;
	[tilespmem:s14+$0x6C00] =	vst v7  }
0x11d: {  	v37 =	vadd.s32 $0x2B, v4;
	[tilespmem:s15+$0x6C00] =	vst v9;
	v7 =	vld.idx.msk [tilespmem:v34+s2+$0x0], $0xffff  }
0x11e: {  	v38 =	vadd.s32 $0x2B, v3;
	[tilespmem:s16+$0x6C00] =	vst v11;
	v9 =	vld.idx.msk [tilespmem:v35+s2+$0x0], $0xffff  }
0x11f: {  	v39 =	vadd.s32 $0x2B, v2;
	v11 =	vld.idx.msk [tilespmem:v36+s2+$0x0], $0xffff  }
0x120: {  	v40 =	vadd.s32 $0x2B, v1  }
0x121: {  	[tilespmem:s13+$0x6C80] =	vst v5  }
0x122: {  	v5 =	vld.idx.msk [tilespmem:v37+s2+$0x0], $0xffff;
	[tilespmem:s14+$0x6C80] =	vst v7  }
0x123: {  	v41 =	vadd.s32 $0x2C, v4;
	[tilespmem:s15+$0x6C80] =	vst v9;
	v7 =	vld.idx.msk [tilespmem:v38+s2+$0x0], $0xffff  }
0x124: {  	v42 =	vadd.s32 $0x2C, v3;
	[tilespmem:s16+$0x6C80] =	vst v11;
	v9 =	vld.idx.msk [tilespmem:v39+s2+$0x0], $0xffff  }
0x125: {  	v43 =	vadd.s32 $0x2C, v2;
	v11 =	vld.idx.msk [tilespmem:v40+s2+$0x0], $0xffff  }
0x126: {  	v44 =	vadd.s32 $0x2C, v1  }
0x127: {  	[tilespmem:s13+$0x6D00] =	vst v5  }
0x128: {  	v5 =	vld.idx.msk [tilespmem:v41+s2+$0x0], $0xffff;
	[tilespmem:s14+$0x6D00] =	vst v7  }
0x129: {  	v45 =	vadd.s32 $0x2D, v4;
	[tilespmem:s15+$0x6D00] =	vst v9;
	v7 =	vld.idx.msk [tilespmem:v42+s2+$0x0], $0xffff  }
0x12a: {  	v46 =	vadd.s32 $0x2D, v3;
	[tilespmem:s16+$0x6D00] =	vst v11;
	v9 =	vld.idx.msk [tilespmem:v43+s2+$0x0], $0xffff  }
0x12b: {  	v47 =	vadd.s32 $0x2D, v2;
	v11 =	vld.idx.msk [tilespmem:v44+s2+$0x0], $0xffff  }
0x12c: {  	v48 =	vadd.s32 $0x2D, v1  }
0x12d: {  	[tilespmem:s13+$0x6D80] =	vst v5  }
0x12e: {  	v5 =	vld.idx.msk [tilespmem:v45+s2+$0x0], $0xffff;
	[tilespmem:s14+$0x6D80] =	vst v7  }
0x12f: {  	v49 =	vadd.s32 $0x2E, v4;
	[tilespmem:s15+$0x6D80] =	vst v9;
	v7 =	vld.idx.msk [tilespmem:v46+s2+$0x0], $0xffff  }
0x130: {  	v50 =	vadd.s32 $0x2E, v3;
	[tilespmem:s16+$0x6D80] =	vst v11;
	v9 =	vld.idx.msk [tilespmem:v47+s2+$0x0], $0xffff  }
0x131: {  	v51 =	vadd.s32 $0x2E, v2;
	v11 =	vld.idx.msk [tilespmem:v48+s2+$0x0], $0xffff  }
0x132: {  	v52 =	vadd.s32 $0x2E, v1  }
0x133: {  	[tilespmem:s13+$0x6E00] =	vst v5  }
0x134: {  	v5 =	vld.idx.msk [tilespmem:v49+s2+$0x0], $0xffff;
	[tilespmem:s14+$0x6E00] =	vst v7  }
0x135: {  	v53 =	vadd.s32 $0x2F, v4;
	[tilespmem:s15+$0x6E00] =	vst v9;
	v7 =	vld.idx.msk [tilespmem:v50+s2+$0x0], $0xffff  }
0x136: {  	v54 =	vadd.s32 $0x2F, v3;
	[tilespmem:s16+$0x6E00] =	vst v11;
	v9 =	vld.idx.msk [tilespmem:v51+s2+$0x0], $0xffff  }
0x137: {  	v55 =	vadd.s32 $0x2F, v2;
	v11 =	vld.idx.msk [tilespmem:v52+s2+$0x0], $0xffff  }
0x138: {  	v56 =	vadd.s32 $0x2F, v1  }
0x139: {  	[tilespmem:s13+$0x6E80] =	vst v5  }
0x13a: {  	v5 =	vld.idx.msk [tilespmem:v53+s2+$0x0], $0xffff;
	[tilespmem:s14+$0x6E80] =	vst v7  }
0x13b: {  	v57 =	vadd.s32 $0x30, v4;
	[tilespmem:s15+$0x6E80] =	vst v9;
	v7 =	vld.idx.msk [tilespmem:v54+s2+$0x0], $0xffff  }
0x13c: {  	v58 =	vadd.s32 $0x30, v3;
	[tilespmem:s16+$0x6E80] =	vst v11;
	v9 =	vld.idx.msk [tilespmem:v55+s2+$0x0], $0xffff  }
0x13d: {  	v59 =	vadd.s32 $0x30, v2;
	v11 =	vld.idx.msk [tilespmem:v56+s2+$0x0], $0xffff  }
0x13e: {  	v60 =	vadd.s32 $0x30, v1  }
0x13f: {  	[tilespmem:s13+$0x6F00] =	vst v5  }
0x140: {  	[tilespmem:s14+$0x6F00] =	vst v7;
	v5 =	vld.idx.msk [tilespmem:v57+s2+$0x0], $0xffff  }
0x141: {  	v4 =	vadd.s32 $0x31, v4;
	[tilespmem:s15+$0x6F00] =	vst v9;
	v61 =	vld.idx.msk [tilespmem:v58+s2+$0x0], $0xffff  }
0x142: {  	v3 =	vadd.s32 $0x31, v3;
	[tilespmem:s16+$0x6F00] =	vst v11;
	v62 =	vld.idx.msk [tilespmem:v59+s2+$0x0], $0xffff  }
0x143: {  	v2 =	vadd.s32 $0x31, v2;
	v63 =	vld.idx.msk [tilespmem:v60+s2+$0x0], $0xffff  }
0x144: {  	v1 =	vadd.s32 $0x31, v1  }
0x145: {  	[tilespmem:s13+$0x7B80] =	vst v5  }
0x146: {  	[tilespmem:s14+$0x7B80] =	vst v61;
	v4 =	vld.idx.msk [tilespmem:v4+s2+$0x0], $0xffff  }
0x147: {  	[tilespmem:s15+$0x7B80] =	vst v62;
	v3 =	vld.idx.msk [tilespmem:v3+s2+$0x0], $0xffff  }
0x148: {  	[tilespmem:s16+$0x7B80] =	vst v63;
	v2 =	vld.idx.msk [tilespmem:v2+s2+$0x0], $0xffff  }
0x149: {  	p1 =	por p0, p0;
	v1 =	vld.idx.msk [tilespmem:v1+s2+$0x0], $0xffff  }
.Ltmp0:
0x14a: {  	_ = 	snop;
	(pc) =	sbr.rel @p1 .LBB2_3-.Ltmp0, $4  }
0x14b: {  	[tilespmem:s13+$0x7C00] =	vst v4  }
0x14c: {  	[tilespmem:s14+$0x7C00] =	vst v3  }
0x14d: {  	[tilespmem:s15+$0x7C00] =	vst v2  }
0x14e: {  	p0 =	por $0x0, $0x0;
	s17 =	simm.s32 $0x40;
	[tilespmem:s16+$0x7C00] =	vst v1  }
0x14f: {  	s13 =	sshll.u32 s11, $0xA  }
0x150: {  	s13 =	sand.u32 $0x3FFFFC00, s13  }
0x151: {  	s12 =	sadd.s32 s12, s5;
	s14 =	sadd.s32 $0x1B80, s13  }
0x152: {  	[hbm4b:s12+s2] =	stream.linear.scatter [tilespmem:s14], [sflag:$0x2], $0x400, $0x38;
	[tilespmem:$0x8B80] =	vst v63  }
0x153: {  	s15 =	sadd.s32 $0x4000, s12;
	s22 =	sadd.s32 $0x2B80, s13  }
0x154: {  	[hbm4b:s15+s2] =	stream.linear.scatter [tilespmem:s22], [sflag:$0x2], $0x400, $0x38;
	[tilespmem:$0x8B80] =	vst v63  }
0x155: {  	s24 =	sadd.s32 $0x8000, s12;
	s23 =	sadd.s32 $0x3B80, s13  }
0x156: {  	[hbm4b:s24+s2] =	stream.linear.scatter [tilespmem:s23], [sflag:$0x2], $0x400, $0x38;
	[tilespmem:$0x8B80] =	vst v63  }
0x157: {  	s11 =	sadd.s32 $0x1, s11;
	s26 =	sadd.s32 $0xC000, s12;
	s25 =	sadd.s32 $0x4B80, s13  }
0x158: {  	[hbm4b:s26+s2] =	stream.linear.scatter [tilespmem:s25], [sflag:$0x2], $0x400, $0x38;
	[tilespmem:$0x8B80] =	vst v63  }
0x159: {  	s29 =	sadd.s32 $0x10000, s12;
	p0 =	sne.s32 s11, $0x4;
	s28 =	sadd.s32 $0x5B80, s13  }
0x15a: {  	[hbm4b:s29+s2] =	stream.linear.scatter [tilespmem:s28], [sflag:$0x2], $0x400, $0x38;
	[tilespmem:$0x8B80] =	vst v63  }
.Ltmp1:
0x15b: {  	_ = 	snop;
	(pc) =	sbr.rel @p0 .LBB2_2-.Ltmp1, $4  }
0x15c: {  	s31 =	sadd.s32 $0x14000, s12;
	s30 =	sadd.s32 $0x6B80, s13  }
0x15d: {  	[hbm4b:s31+s2] =	stream.linear.scatter [tilespmem:s30], [sflag:$0x2], $0x400, $0x38;
	[tilespmem:$0x8B80] =	vst v63  }
0x15e: {  	s13 =	sadd.s32 $0x7B80, s13;
	s12 =	sadd.s32 $0x18000, s12  }
0x15f: {  	[hbm4b:s12+s2] =	stream.linear.scatter [tilespmem:s13], [sflag:$0x2], $0x400, $0x38;
	[tilespmem:$0x8B80] =	vst v63  }
0x160: {  	_ =	swait.ge [sflag:s9], $0x1C00  }
0x161: {  	[sflag:s9] =	ssyncset.done $0x0  }
0x162: {  	[sflag:s9] =	ssyncadd.s32 $0xFFFFE400  }
0x163: {  	_ =	swait.ge [sflag:s9], $0x1C00  }
0x164: {  	[sflag:s9] =	ssyncset.done $0x0  }
0x165: {  	s10 =	sadd.s32 $0x1, s10;
	[sflag:s9] =	ssyncadd.s32 $0xFFFFE400  }
0x166: {  	p0 =	sne.s32 s10, s6;
	_ =	swait.ge [sflag:s9], $0x1C00  }
.Ltmp2:
0x167: {  	[sflag:s9] =	ssyncset.done $0x0;
	(pc) =	sbr.rel @p0 .LBB2_1-.Ltmp2, $4  }
0x168: {  	[sflag:s9] =	ssyncadd.s32 $0xFFFFE400  }
0x169: {  	_ =	swait.ge [sflag:s9], $0x1C00  }
0x16a: {  	[sflag:s9] =	ssyncset.done $0x0  }
0x16b: {  	[sflag:s9] =	ssyncadd.s32 $0xFFFFE400  }
0x16c: {  	_ =	sfence.sel $0x180000  }
0x16d: {  	[bflag:$0x0] =	sbarrier.arrive $0xFFFF  }
0x16e: {  	p0 =	sne.s32 s1, $0x0;
	_ =	strace $0x90000047  }
0x16f: {  	s0 =	sadd.s32 @!p0 $0x100000, s0;
	[bflag:$0x2] =	sbarrier.arrive $0xFFFF  }
0x170: {  	[sflag:s0] =	ssyncadd.tile.s32 @!p0 $0x1;
	_ =	shalt  }
.Lfunc_end2:
_tile_overlayer_lowered:
.L_overlay_start_2:
0x171: {  	(tag) =	ssettag $0x2  }
0x172: {  	s0 =	rddreg [dreg:$0x0];
	s2 =	stileid.u32  }
0x173: {  	s1 =	rddreg [dreg:$0x1];
	p0 =	sne.s32 s2, $0x0  }
0x174: {  	s3 =	rddreg [dreg:$0x2];
	[bflag:$0x3] =	sbarrier.arrive $0xFFFF;
	s2 =	simm.s32 @!p0 $0x1C03  }
0x175: {  	[timem:s3], [sflag:s2] =	dma.local @!p0 [hbm:s0], s1  }
0x176: {  	s0 =	simm.s32 @!p0 $0x3  }
0x177: {  	_ =	swait.ge @!p0 [sflag:s0], s1  }
0x178: {  	s1 =	ssub.s32 @!p0 $0x0, s1;
	[sflag:s0] =	ssyncset.done @!p0 $0x0  }
0x179: {  	[sflag:s0] =	ssyncadd.s32 @!p0 s1  }
0x17a: {  	[bflag:$0x3] =	sbarrier.arrive $0xFFFF  }
0x17b: {  	_ =	shalt  }

</sc_bundles>
